<compile_context>
chip_gen: v7x
topology: tpu7x:2x2x1
jax: 0.10.2.dev20260603
libtpu: 0.0.44.dev20260713+nightly
codegen_flags: <defaults>
</compile_context>

<pallas_src>
import functools

import jax
import jax.numpy as jnp
from jax import lax
from jax.experimental import pallas as pl
from jax.experimental.pallas import tpu as pltpu
from jax.experimental.pallas import tpu_sc as plsc

B = 16
CT = 32
TT = 32
R = 31
TILE = 8 * 128
SLAB = TT * TILE
OSLAB = 2 * TILE
NW = 32
SPW = (B * CT) // NW


def _sc_chunk(x_lin):
    mesh = plsc.VectorSubcoreMesh(core_axis_name="c", subcore_axis_name="s")

    @functools.partial(
        pl.kernel,
        out_type=jax.ShapeDtypeStruct((B * R * CT * OSLAB,), jnp.float32),
        mesh=mesh,
        compiler_params=pltpu.CompilerParams(
            needs_layout_passes=False,
            disable_bounds_checks=True,
            disable_semaphore_checks=True,
        ),
        scratch_types=[
            pltpu.VMEM((SLAB,), jnp.float32),
            pltpu.VMEM((SLAB,), jnp.float32),
            pltpu.SemaphoreType.DMA,
            pltpu.SemaphoreType.DMA,
            pltpu.SemaphoreType.DMA,
            pltpu.SemaphoreType.DMA,
        ],
    )
    def k(x_hbm, out_hbm, buf0, buf1, si0, si1, so0, so1):
        wid = lax.axis_index("s") * 2 + lax.axis_index("c")
        bufs, sis, sos = (buf0, buf1), (si0, si1), (so0, so1)

        def in_dma(i, p):
            s = wid + i * NW
            return pltpu.make_async_copy(
                x_hbm.at[pl.ds(s * SLAB, SLAB)], bufs[p], sis[p])

        def out_dma(i, r, p):
            s = wid + i * NW
            b, ct = s >> 5, s & 31
            off = ((b * R + r) * CT + ct) * OSLAB
            return pltpu.make_async_copy(
                bufs[p].at[pl.ds(r * TILE, OSLAB)],
                out_hbm.at[pl.ds(off, OSLAB)], sos[p])

        def outs_start(i, p, lo=0, hi=R):
            def body(r, _):
                out_dma(i, r, p).start()
                return 0

            lax.fori_loop(lo, hi, body, 0)

        def outs_wait(i, p):
            def body(r, _):
                out_dma(i, r, p).wait()
                return 0

            lax.fori_loop(0, R, body, 0)

        QT = TT // 4

        def piece(q):
            return pltpu.make_async_copy(
                x_hbm.at[pl.ds(wid * SLAB + q * QT * TILE, QT * TILE)],
                bufs[0].at[pl.ds(q * QT * TILE, QT * TILE)], sis[0])

        for q in range(4):
            piece(q).start()
        for q in range(4):
            piece(q).wait()
            outs_start(0, 0, max(0, q * QT - 1), (q + 1) * QT - 1)
        in_dma(1, 1).start()

        def step(i, p):
            in_dma(i, p).wait()
            outs_start(i, p)

            @pl.when(i + 1 < SPW)
            def _():
                @pl.when(i >= 1)
                def _():
                    outs_wait(i - 1, 1 - p)

                in_dma(i + 1, 1 - p).start()

        step(1, 1)

        def pair(k2, _):
            step(k2 * 2, 0)
            step(k2 * 2 + 1, 1)
            return 0

        lax.fori_loop(1, SPW // 2, pair, 0)
        outs_wait(SPW - 2, 0)
        outs_wait(SPW - 1, 1)

    return k(x_lin)


def kernel(x):
    x_lin = x.reshape(B, CT, 8, TT, 128).transpose(0, 1, 3, 2, 4).reshape(-1)
    out_lin = _sc_chunk(x_lin)
    out = (out_lin.reshape(B, R, CT, 2, 8, 128)
           .transpose(0, 2, 4, 3, 5, 1)
           .reshape(16, 256, 256, 31))
    return out

# --- scband reference (transcript-rebuilt; emitter-appended) ---
"""Pipeline reference for scband-chunking-23270132810442 (READ-ONLY COPY).

The authoritative reference and input builder live on the scoring server;
editing this copy changes nothing except your own understanding.
"""

import jax, jax.numpy as jnp
import numpy as np

CHUNK_SIZE = 256
INPUT_TIMESTEPS = 4096
HALF_CHUNK = CHUNK_SIZE // 2
_pad = HALF_CHUNK - (INPUT_TIMESTEPS % HALF_CHUNK)
PADDING = 0 if _pad == HALF_CHUNK else _pad
COLS = CHUNK_SIZE
ROWS = (INPUT_TIMESTEPS + PADDING) // HALF_CHUNK - 1
# index = (arange(cols)[None,:] + half_chunk*arange(rows)[:,None]).mT -> shape [cols, rows]
INDEX = np.transpose(np.arange(COLS)[None, :] + HALF_CHUNK * np.arange(ROWS)[:, None])


def setup_inputs(seed: int = 0) -> dict:
    key = jax.random.key(seed)
    x = jax.random.normal(key, (16, 256, INPUT_TIMESTEPS), dtype=jnp.float32)
    return {"x": x}


def reference(x):
    assert x.shape[-1] == INPUT_TIMESTEPS
    x = jnp.pad(x, ((0, 0), (0, 0), (0, PADDING)))
    idx = jnp.asarray(INDEX)
    # overlapping-chunk gather along last axis: output [B, C, cols, rows]
    return jnp.take(x, idx, axis=2)

if __name__ == "__main__":
    import jax
    _d = setup_inputs()
    print(jax.jit(kernel)(*tuple(_d.values())))

</pallas_src>

<mosaic_0001>
#map = affine_map<(d0, d1) -> (0)>
module attributes {stable_mosaic.version = 14 : i64} {
  func.func @k(%arg0: i32, %arg1: i32, %arg2: memref<16777216xf32, #tpu.memory_space<hbm>>, %arg3: memref<32505856xf32, #tpu.memory_space<hbm>>, %arg4: memref<32768xf32, #tpu.memory_space<vmem>>, %arg5: memref<32768xf32, #tpu.memory_space<vmem>>, %arg6: memref<!tpu.dma_semaphore, #tpu.memory_space<semaphore_mem>>, %arg7: memref<!tpu.dma_semaphore, #tpu.memory_space<semaphore_mem>>, %arg8: memref<!tpu.dma_semaphore, #tpu.memory_space<semaphore_mem>>, %arg9: memref<!tpu.dma_semaphore, #tpu.memory_space<semaphore_mem>>) attributes {dimension_semantics = [#tpu.dimension_semantics<core_parallel>, #tpu.dimension_semantics<subcore_parallel>], iteration_bounds = array<i64: 2, 16>, scalar_prefetch = 0 : i64, scratch_operands = 6 : i64, tpu.core_type = #tpu.core_type<sc_vector_subcore>, window_params = [{transform_indices = #map}, {transform_indices = #map}]} {
    %mul3A = arith.constant 2 : i32
    %mul3A_0 = arith.muli %arg1, %mul3A : i32
    %add3A = arith.addi %mul3A_0, %arg0 : i32
    %mul3A_1 = arith.constant 32768 : i32
    %mul3A_2 = arith.muli %add3A, %mul3A_1 : i32
    %add3A_3 = arith.constant 0 : i32
    %add3A_4 = arith.addi %mul3A_2, %add3A_3 : i32
    %dma_start3A = arith.constant 0 : i32
    %dma_start3A_5 = tpu.memref_slice %arg4[%dma_start3A] : memref<32768xf32, #tpu.memory_space<vmem>> -> memref<8192xf32, #tpu.memory_space<vmem>>
    %dma_start3A_6 = tpu.memref_slice %arg2[%add3A_4] : memref<16777216xf32, #tpu.memory_space<hbm>> -> memref<8192xf32, #tpu.memory_space<hbm>>
    %dma_start3A_7 = arith.constant 0 : i32
    %dma_start3A_8 = tpu.memref_slice %arg4[%dma_start3A_7] : memref<32768xf32, #tpu.memory_space<vmem>> -> memref<8192xf32, #tpu.memory_space<vmem>>
    %dma_start3A_9 = tpu.memref_slice %arg2[%add3A_4] : memref<16777216xf32, #tpu.memory_space<hbm>> -> memref<8192xf32, #tpu.memory_space<hbm>>
    tpu.enqueue_dma source(%dma_start3A_9 : memref<8192xf32, #tpu.memory_space<hbm>>) target(%dma_start3A_8 : memref<8192xf32, #tpu.memory_space<vmem>>) target_semaphore(%arg6 : memref<!tpu.dma_semaphore, #tpu.memory_space<semaphore_mem>>)
    %mul3A_10 = arith.constant 32768 : i32
    %mul3A_11 = arith.muli %add3A, %mul3A_10 : i32
    %add3A_12 = arith.constant 8192 : i32
    %add3A_13 = arith.addi %mul3A_11, %add3A_12 : i32
    %dma_start3A_14 = arith.constant 8192 : i32
    %dma_start3A_15 = tpu.memref_slice %arg4[%dma_start3A_14] : memref<32768xf32, #tpu.memory_space<vmem>> -> memref<8192xf32, #tpu.memory_space<vmem>>
    %dma_start3A_16 = tpu.memref_slice %arg2[%add3A_13] : memref<16777216xf32, #tpu.memory_space<hbm>> -> memref<8192xf32, #tpu.memory_space<hbm>>
    %dma_start3A_17 = arith.constant 8192 : i32
    %dma_start3A_18 = tpu.memref_slice %arg4[%dma_start3A_17] : memref<32768xf32, #tpu.memory_space<vmem>> -> memref<8192xf32, #tpu.memory_space<vmem>>
    %dma_start3A_19 = tpu.memref_slice %arg2[%add3A_13] : memref<16777216xf32, #tpu.memory_space<hbm>> -> memref<8192xf32, #tpu.memory_space<hbm>>
    tpu.enqueue_dma source(%dma_start3A_19 : memref<8192xf32, #tpu.memory_space<hbm>>) target(%dma_start3A_18 : memref<8192xf32, #tpu.memory_space<vmem>>) target_semaphore(%arg6 : memref<!tpu.dma_semaphore, #tpu.memory_space<semaphore_mem>>)
    %mul3A_20 = arith.constant 32768 : i32
    %mul3A_21 = arith.muli %add3A, %mul3A_20 : i32
    %add3A_22 = arith.constant 16384 : i32
    %add3A_23 = arith.addi %mul3A_21, %add3A_22 : i32
    %dma_start3A_24 = arith.constant 16384 : i32
    %dma_start3A_25 = tpu.memref_slice %arg4[%dma_start3A_24] : memref<32768xf32, #tpu.memory_space<vmem>> -> memref<8192xf32, #tpu.memory_space<vmem>>
    %dma_start3A_26 = tpu.memref_slice %arg2[%add3A_23] : memref<16777216xf32, #tpu.memory_space<hbm>> -> memref<8192xf32, #tpu.memory_space<hbm>>
    %dma_start3A_27 = arith.constant 16384 : i32
    %dma_start3A_28 = tpu.memref_slice %arg4[%dma_start3A_27] : memref<32768xf32, #tpu.memory_space<vmem>> -> memref<8192xf32, #tpu.memory_space<vmem>>
    %dma_start3A_29 = tpu.memref_slice %arg2[%add3A_23] : memref<16777216xf32, #tpu.memory_space<hbm>> -> memref<8192xf32, #tpu.memory_space<hbm>>
    tpu.enqueue_dma source(%dma_start3A_29 : memref<8192xf32, #tpu.memory_space<hbm>>) target(%dma_start3A_28 : memref<8192xf32, #tpu.memory_space<vmem>>) target_semaphore(%arg6 : memref<!tpu.dma_semaphore, #tpu.memory_space<semaphore_mem>>)
    %mul3A_30 = arith.constant 32768 : i32
    %mul3A_31 = arith.muli %add3A, %mul3A_30 : i32
    %add3A_32 = arith.constant 24576 : i32
    %add3A_33 = arith.addi %mul3A_31, %add3A_32 : i32
    %dma_start3A_34 = arith.constant 24576 : i32
    %dma_start3A_35 = tpu.memref_slice %arg4[%dma_start3A_34] : memref<32768xf32, #tpu.memory_space<vmem>> -> memref<8192xf32, #tpu.memory_space<vmem>>
    %dma_start3A_36 = tpu.memref_slice %arg2[%add3A_33] : memref<16777216xf32, #tpu.memory_space<hbm>> -> memref<8192xf32, #tpu.memory_space<hbm>>
    %dma_start3A_37 = arith.constant 24576 : i32
    %dma_start3A_38 = tpu.memref_slice %arg4[%dma_start3A_37] : memref<32768xf32, #tpu.memory_space<vmem>> -> memref<8192xf32, #tpu.memory_space<vmem>>
    %dma_start3A_39 = tpu.memref_slice %arg2[%add3A_33] : memref<16777216xf32, #tpu.memory_space<hbm>> -> memref<8192xf32, #tpu.memory_space<hbm>>
    tpu.enqueue_dma source(%dma_start3A_39 : memref<8192xf32, #tpu.memory_space<hbm>>) target(%dma_start3A_38 : memref<8192xf32, #tpu.memory_space<vmem>>) target_semaphore(%arg6 : memref<!tpu.dma_semaphore, #tpu.memory_space<semaphore_mem>>)
    %mul3A_40 = arith.constant 32768 : i32
    %mul3A_41 = arith.muli %add3A, %mul3A_40 : i32
    %add3A_42 = arith.constant 0 : i32
    %add3A_43 = arith.addi %mul3A_41, %add3A_42 : i32
    %dma_wait3A = arith.constant 0 : i32
    %dma_wait3A_44 = tpu.memref_slice %arg4[%dma_wait3A] : memref<32768xf32, #tpu.memory_space<vmem>> -> memref<8192xf32, #tpu.memory_space<vmem>>
    %dma_wait3A_45 = tpu.memref_slice %arg2[%add3A_43] : memref<16777216xf32, #tpu.memory_space<hbm>> -> memref<8192xf32, #tpu.memory_space<hbm>>
    %dma_wait3A_46 = arith.constant 0 : i32
    %dma_wait3A_47 = tpu.memref_slice %arg4[%dma_wait3A_46] : memref<32768xf32, #tpu.memory_space<vmem>> -> memref<8192xf32, #tpu.memory_space<vmem>>
    %dma_wait3A_48 = tpu.memref_slice %arg2[%add3A_43] : memref<16777216xf32, #tpu.memory_space<hbm>> -> memref<8192xf32, #tpu.memory_space<hbm>>
    tpu.wait_dma2 semaphore(%arg6 : memref<!tpu.dma_semaphore, #tpu.memory_space<semaphore_mem>>) src(%dma_wait3A_48 : memref<8192xf32, #tpu.memory_space<hbm>>) dst(%dma_wait3A_47 : memref<8192xf32, #tpu.memory_space<vmem>>)
    %scan3A = arith.constant 0 : i32
    %scan3A_49 = arith.constant 0 : i32
    %scan3A_50 = arith.constant 7 : i32
    %scan3A_51 = arith.addi %scan3A_49, %scan3A_50 : i32
    %scan3A_52 = arith.constant 1 : i32
    %scan3A_53 = scf.for %scan3A_159 = %scan3A_49 to %scan3A_51 step %scan3A_52 iter_args(%scan3A_160 = %scan3A) -> (i32)  : i32 {
      %add3A_161 = arith.constant 0 : i32
      %add3A_162 = arith.addi %add3A, %add3A_161 : i32
      %shift_right_arithmetic3A = arith.constant 5 : i32
      %shift_right_arithmetic3A_163 = arith.shrsi %add3A_162, %shift_right_arithmetic3A : i32
      %and3A = arith.constant 31 : i32
      %and3A_164 = arith.andi %add3A_162, %and3A : i32
      %mul3A_165 = arith.constant 31 : i32
      %mul3A_166 = arith.muli %shift_right_arithmetic3A_163, %mul3A_165 : i32
      %add3A_167 = arith.addi %mul3A_166, %scan3A_159 : i32
      %mul3A_168 = arith.constant 32 : i32
      %mul3A_169 = arith.muli %add3A_167, %mul3A_168 : i32
      %add3A_170 = arith.addi %mul3A_169, %and3A_164 : i32
      %mul3A_171 = arith.constant 2048 : i32
      %mul3A_172 = arith.muli %add3A_170, %mul3A_171 : i32
      %mul3A_173 = arith.constant 1024 : i32
      %mul3A_174 = arith.muli %scan3A_159, %mul3A_173 : i32
      %dma_start3A_175 = tpu.memref_slice %arg4[%mul3A_174] : memref<32768xf32, #tpu.memory_space<vmem>> -> memref<2048xf32, #tpu.memory_space<vmem>>
      %dma_start3A_176 = tpu.memref_slice %arg3[%mul3A_172] : memref<32505856xf32, #tpu.memory_space<hbm>> -> memref<2048xf32, #tpu.memory_space<hbm>>
      %dma_start3A_177 = tpu.memref_slice %arg3[%mul3A_172] : memref<32505856xf32, #tpu.memory_space<hbm>> -> memref<2048xf32, #tpu.memory_space<hbm>>
      %dma_start3A_178 = tpu.memref_slice %arg4[%mul3A_174] : memref<32768xf32, #tpu.memory_space<vmem>> -> memref<2048xf32, #tpu.memory_space<vmem>>
      tpu.enqueue_dma source(%dma_start3A_178 : memref<2048xf32, #tpu.memory_space<vmem>>) target(%dma_start3A_177 : memref<2048xf32, #tpu.memory_space<hbm>>) target_semaphore(%arg8 : memref<!tpu.dma_semaphore, #tpu.memory_space<semaphore_mem>>)
      %scan3A_179 = arith.constant 0 : i32
      scf.yield %scan3A_179 : i32
    }
    %scan3A_54 = arith.constant 7 : i32
    %mul3A_55 = arith.constant 32768 : i32
    %mul3A_56 = arith.muli %add3A, %mul3A_55 : i32
    %add3A_57 = arith.constant 8192 : i32
    %add3A_58 = arith.addi %mul3A_56, %add3A_57 : i32
    %dma_wait3A_59 = arith.constant 8192 : i32
    %dma_wait3A_60 = tpu.memref_slice %arg4[%dma_wait3A_59] : memref<32768xf32, #tpu.memory_space<vmem>> -> memref<8192xf32, #tpu.memory_space<vmem>>
    %dma_wait3A_61 = tpu.memref_slice %arg2[%add3A_58] : memref<16777216xf32, #tpu.memory_space<hbm>> -> memref<8192xf32, #tpu.memory_space<hbm>>
    %dma_wait3A_62 = arith.constant 8192 : i32
    %dma_wait3A_63 = tpu.memref_slice %arg4[%dma_wait3A_62] : memref<32768xf32, #tpu.memory_space<vmem>> -> memref<8192xf32, #tpu.memory_space<vmem>>
    %dma_wait3A_64 = tpu.memref_slice %arg2[%add3A_58] : memref<16777216xf32, #tpu.memory_space<hbm>> -> memref<8192xf32, #tpu.memory_space<hbm>>
    tpu.wait_dma2 semaphore(%arg6 : memref<!tpu.dma_semaphore, #tpu.memory_space<semaphore_mem>>) src(%dma_wait3A_64 : memref<8192xf32, #tpu.memory_space<hbm>>) dst(%dma_wait3A_63 : memref<8192xf32, #tpu.memory_space<vmem>>)
    %scan3A_65 = arith.constant 0 : i32
    %scan3A_66 = arith.constant 7 : i32
    %scan3A_67 = arith.constant 8 : i32
    %scan3A_68 = arith.addi %scan3A_66, %scan3A_67 : i32
    %scan3A_69 = arith.constant 1 : i32
    %scan3A_70 = scf.for %scan3A_159 = %scan3A_66 to %scan3A_68 step %scan3A_69 iter_args(%scan3A_160 = %scan3A_65) -> (i32)  : i32 {
      %add3A_161 = arith.constant 0 : i32
      %add3A_162 = arith.addi %add3A, %add3A_161 : i32
      %shift_right_arithmetic3A = arith.constant 5 : i32
      %shift_right_arithmetic3A_163 = arith.shrsi %add3A_162, %shift_right_arithmetic3A : i32
      %and3A = arith.constant 31 : i32
      %and3A_164 = arith.andi %add3A_162, %and3A : i32
      %mul3A_165 = arith.constant 31 : i32
      %mul3A_166 = arith.muli %shift_right_arithmetic3A_163, %mul3A_165 : i32
      %add3A_167 = arith.addi %mul3A_166, %scan3A_159 : i32
      %mul3A_168 = arith.constant 32 : i32
      %mul3A_169 = arith.muli %add3A_167, %mul3A_168 : i32
      %add3A_170 = arith.addi %mul3A_169, %and3A_164 : i32
      %mul3A_171 = arith.constant 2048 : i32
      %mul3A_172 = arith.muli %add3A_170, %mul3A_171 : i32
      %mul3A_173 = arith.constant 1024 : i32
      %mul3A_174 = arith.muli %scan3A_159, %mul3A_173 : i32
      %dma_start3A_175 = tpu.memref_slice %arg4[%mul3A_174] : memref<32768xf32, #tpu.memory_space<vmem>> -> memref<2048xf32, #tpu.memory_space<vmem>>
      %dma_start3A_176 = tpu.memref_slice %arg3[%mul3A_172] : memref<32505856xf32, #tpu.memory_space<hbm>> -> memref<2048xf32, #tpu.memory_space<hbm>>
      %dma_start3A_177 = tpu.memref_slice %arg3[%mul3A_172] : memref<32505856xf32, #tpu.memory_space<hbm>> -> memref<2048xf32, #tpu.memory_space<hbm>>
      %dma_start3A_178 = tpu.memref_slice %arg4[%mul3A_174] : memref<32768xf32, #tpu.memory_space<vmem>> -> memref<2048xf32, #tpu.memory_space<vmem>>
      tpu.enqueue_dma source(%dma_start3A_178 : memref<2048xf32, #tpu.memory_space<vmem>>) target(%dma_start3A_177 : memref<2048xf32, #tpu.memory_space<hbm>>) target_semaphore(%arg8 : memref<!tpu.dma_semaphore, #tpu.memory_space<semaphore_mem>>)
      %scan3A_179 = arith.constant 0 : i32
      scf.yield %scan3A_179 : i32
    }
    %scan3A_71 = arith.constant 8 : i32
    %mul3A_72 = arith.constant 32768 : i32
    %mul3A_73 = arith.muli %add3A, %mul3A_72 : i32
    %add3A_74 = arith.constant 16384 : i32
    %add3A_75 = arith.addi %mul3A_73, %add3A_74 : i32
    %dma_wait3A_76 = arith.constant 16384 : i32
    %dma_wait3A_77 = tpu.memref_slice %arg4[%dma_wait3A_76] : memref<32768xf32, #tpu.memory_space<vmem>> -> memref<8192xf32, #tpu.memory_space<vmem>>
    %dma_wait3A_78 = tpu.memref_slice %arg2[%add3A_75] : memref<16777216xf32, #tpu.memory_space<hbm>> -> memref<8192xf32, #tpu.memory_space<hbm>>
    %dma_wait3A_79 = arith.constant 16384 : i32
    %dma_wait3A_80 = tpu.memref_slice %arg4[%dma_wait3A_79] : memref<32768xf32, #tpu.memory_space<vmem>> -> memref<8192xf32, #tpu.memory_space<vmem>>
    %dma_wait3A_81 = tpu.memref_slice %arg2[%add3A_75] : memref<16777216xf32, #tpu.memory_space<hbm>> -> memref<8192xf32, #tpu.memory_space<hbm>>
    tpu.wait_dma2 semaphore(%arg6 : memref<!tpu.dma_semaphore, #tpu.memory_space<semaphore_mem>>) src(%dma_wait3A_81 : memref<8192xf32, #tpu.memory_space<hbm>>) dst(%dma_wait3A_80 : memref<8192xf32, #tpu.memory_space<vmem>>)
    %scan3A_82 = arith.constant 0 : i32
    %scan3A_83 = arith.constant 15 : i32
    %scan3A_84 = arith.constant 8 : i32
    %scan3A_85 = arith.addi %scan3A_83, %scan3A_84 : i32
    %scan3A_86 = arith.constant 1 : i32
    %scan3A_87 = scf.for %scan3A_159 = %scan3A_83 to %scan3A_85 step %scan3A_86 iter_args(%scan3A_160 = %scan3A_82) -> (i32)  : i32 {
      %add3A_161 = arith.constant 0 : i32
      %add3A_162 = arith.addi %add3A, %add3A_161 : i32
      %shift_right_arithmetic3A = arith.constant 5 : i32
      %shift_right_arithmetic3A_163 = arith.shrsi %add3A_162, %shift_right_arithmetic3A : i32
      %and3A = arith.constant 31 : i32
      %and3A_164 = arith.andi %add3A_162, %and3A : i32
      %mul3A_165 = arith.constant 31 : i32
      %mul3A_166 = arith.muli %shift_right_arithmetic3A_163, %mul3A_165 : i32
      %add3A_167 = arith.addi %mul3A_166, %scan3A_159 : i32
      %mul3A_168 = arith.constant 32 : i32
      %mul3A_169 = arith.muli %add3A_167, %mul3A_168 : i32
      %add3A_170 = arith.addi %mul3A_169, %and3A_164 : i32
      %mul3A_171 = arith.constant 2048 : i32
      %mul3A_172 = arith.muli %add3A_170, %mul3A_171 : i32
      %mul3A_173 = arith.constant 1024 : i32
      %mul3A_174 = arith.muli %scan3A_159, %mul3A_173 : i32
      %dma_start3A_175 = tpu.memref_slice %arg4[%mul3A_174] : memref<32768xf32, #tpu.memory_space<vmem>> -> memref<2048xf32, #tpu.memory_space<vmem>>
      %dma_start3A_176 = tpu.memref_slice %arg3[%mul3A_172] : memref<32505856xf32, #tpu.memory_space<hbm>> -> memref<2048xf32, #tpu.memory_space<hbm>>
      %dma_start3A_177 = tpu.memref_slice %arg3[%mul3A_172] : memref<32505856xf32, #tpu.memory_space<hbm>> -> memref<2048xf32, #tpu.memory_space<hbm>>
      %dma_start3A_178 = tpu.memref_slice %arg4[%mul3A_174] : memref<32768xf32, #tpu.memory_space<vmem>> -> memref<2048xf32, #tpu.memory_space<vmem>>
      tpu.enqueue_dma source(%dma_start3A_178 : memref<2048xf32, #tpu.memory_space<vmem>>) target(%dma_start3A_177 : memref<2048xf32, #tpu.memory_space<hbm>>) target_semaphore(%arg8 : memref<!tpu.dma_semaphore, #tpu.memory_space<semaphore_mem>>)
      %scan3A_179 = arith.constant 0 : i32
      scf.yield %scan3A_179 : i32
    }
    %scan3A_88 = arith.constant 8 : i32
    %mul3A_89 = arith.constant 32768 : i32
    %mul3A_90 = arith.muli %add3A, %mul3A_89 : i32
    %add3A_91 = arith.constant 24576 : i32
    %add3A_92 = arith.addi %mul3A_90, %add3A_91 : i32
    %dma_wait3A_93 = arith.constant 24576 : i32
    %dma_wait3A_94 = tpu.memref_slice %arg4[%dma_wait3A_93] : memref<32768xf32, #tpu.memory_space<vmem>> -> memref<8192xf32, #tpu.memory_space<vmem>>
    %dma_wait3A_95 = tpu.memref_slice %arg2[%add3A_92] : memref<16777216xf32, #tpu.memory_space<hbm>> -> memref<8192xf32, #tpu.memory_space<hbm>>
    %dma_wait3A_96 = arith.constant 24576 : i32
    %dma_wait3A_97 = tpu.memref_slice %arg4[%dma_wait3A_96] : memref<32768xf32, #tpu.memory_space<vmem>> -> memref<8192xf32, #tpu.memory_space<vmem>>
    %dma_wait3A_98 = tpu.memref_slice %arg2[%add3A_92] : memref<16777216xf32, #tpu.memory_space<hbm>> -> memref<8192xf32, #tpu.memory_space<hbm>>
    tpu.wait_dma2 semaphore(%arg6 : memref<!tpu.dma_semaphore, #tpu.memory_space<semaphore_mem>>) src(%dma_wait3A_98 : memref<8192xf32, #tpu.memory_space<hbm>>) dst(%dma_wait3A_97 : memref<8192xf32, #tpu.memory_space<vmem>>)
    %scan3A_99 = arith.constant 0 : i32
    %scan3A_100 = arith.constant 23 : i32
    %scan3A_101 = arith.constant 8 : i32
    %scan3A_102 = arith.addi %scan3A_100, %scan3A_101 : i32
    %scan3A_103 = arith.constant 1 : i32
    %scan3A_104 = scf.for %scan3A_159 = %scan3A_100 to %scan3A_102 step %scan3A_103 iter_args(%scan3A_160 = %scan3A_99) -> (i32)  : i32 {
      %add3A_161 = arith.constant 0 : i32
      %add3A_162 = arith.addi %add3A, %add3A_161 : i32
      %shift_right_arithmetic3A = arith.constant 5 : i32
      %shift_right_arithmetic3A_163 = arith.shrsi %add3A_162, %shift_right_arithmetic3A : i32
      %and3A = arith.constant 31 : i32
      %and3A_164 = arith.andi %add3A_162, %and3A : i32
      %mul3A_165 = arith.constant 31 : i32
      %mul3A_166 = arith.muli %shift_right_arithmetic3A_163, %mul3A_165 : i32
      %add3A_167 = arith.addi %mul3A_166, %scan3A_159 : i32
      %mul3A_168 = arith.constant 32 : i32
      %mul3A_169 = arith.muli %add3A_167, %mul3A_168 : i32
      %add3A_170 = arith.addi %mul3A_169, %and3A_164 : i32
      %mul3A_171 = arith.constant 2048 : i32
      %mul3A_172 = arith.muli %add3A_170, %mul3A_171 : i32
      %mul3A_173 = arith.constant 1024 : i32
      %mul3A_174 = arith.muli %scan3A_159, %mul3A_173 : i32
      %dma_start3A_175 = tpu.memref_slice %arg4[%mul3A_174] : memref<32768xf32, #tpu.memory_space<vmem>> -> memref<2048xf32, #tpu.memory_space<vmem>>
      %dma_start3A_176 = tpu.memref_slice %arg3[%mul3A_172] : memref<32505856xf32, #tpu.memory_space<hbm>> -> memref<2048xf32, #tpu.memory_space<hbm>>
      %dma_start3A_177 = tpu.memref_slice %arg3[%mul3A_172] : memref<32505856xf32, #tpu.memory_space<hbm>> -> memref<2048xf32, #tpu.memory_space<hbm>>
      %dma_start3A_178 = tpu.memref_slice %arg4[%mul3A_174] : memref<32768xf32, #tpu.memory_space<vmem>> -> memref<2048xf32, #tpu.memory_space<vmem>>
      tpu.enqueue_dma source(%dma_start3A_178 : memref<2048xf32, #tpu.memory_space<vmem>>) target(%dma_start3A_177 : memref<2048xf32, #tpu.memory_space<hbm>>) target_semaphore(%arg8 : memref<!tpu.dma_semaphore, #tpu.memory_space<semaphore_mem>>)
      %scan3A_179 = arith.constant 0 : i32
      scf.yield %scan3A_179 : i32
    }
    %scan3A_105 = arith.constant 8 : i32
    %add3A_106 = arith.constant 32 : i32
    %add3A_107 = arith.addi %add3A, %add3A_106 : i32
    %mul3A_108 = arith.constant 32768 : i32
    %mul3A_109 = arith.muli %add3A_107, %mul3A_108 : i32
    %dma_start3A_110 = tpu.memref_slice %arg2[%mul3A_109] : memref<16777216xf32, #tpu.memory_space<hbm>> -> memref<32768xf32, #tpu.memory_space<hbm>>
    %dma_start3A_111 = tpu.memref_slice %arg2[%mul3A_109] : memref<16777216xf32, #tpu.memory_space<hbm>> -> memref<32768xf32, #tpu.memory_space<hbm>>
    tpu.enqueue_dma source(%dma_start3A_111 : memref<32768xf32, #tpu.memory_space<hbm>>) target(%arg5 : memref<32768xf32, #tpu.memory_space<vmem>>) target_semaphore(%arg7 : memref<!tpu.dma_semaphore, #tpu.memory_space<semaphore_mem>>)
    %add3A_112 = arith.constant 32 : i32
    %add3A_113 = arith.addi %add3A, %add3A_112 : i32
    %mul3A_114 = arith.constant 32768 : i32
    %mul3A_115 = arith.muli %add3A_113, %mul3A_114 : i32
    %dma_wait3A_116 = tpu.memref_slice %arg2[%mul3A_115] : memref<16777216xf32, #tpu.memory_space<hbm>> -> memref<32768xf32, #tpu.memory_space<hbm>>
    %dma_wait3A_117 = tpu.memref_slice %arg2[%mul3A_115] : memref<16777216xf32, #tpu.memory_space<hbm>> -> memref<32768xf32, #tpu.memory_space<hbm>>
    tpu.wait_dma2 semaphore(%arg7 : memref<!tpu.dma_semaphore, #tpu.memory_space<semaphore_mem>>) src(%dma_wait3A_117 : memref<32768xf32, #tpu.memory_space<hbm>>) dst(%arg5 : memref<32768xf32, #tpu.memory_space<vmem>>)
    %scan3A_118 = arith.constant 0 : i32
    %scan3A_119 = arith.constant 0 : i32
    %scan3A_120 = arith.constant 31 : i32
    %scan3A_121 = arith.addi %scan3A_119, %scan3A_120 : i32
    %scan3A_122 = arith.constant 1 : i32
    %scan3A_123 = scf.for %scan3A_159 = %scan3A_119 to %scan3A_121 step %scan3A_122 iter_args(%scan3A_160 = %scan3A_118) -> (i32)  : i32 {
      %add3A_161 = arith.constant 32 : i32
      %add3A_162 = arith.addi %add3A, %add3A_161 : i32
      %shift_right_arithmetic3A = arith.constant 5 : i32
      %shift_right_arithmetic3A_163 = arith.shrsi %add3A_162, %shift_right_arithmetic3A : i32
      %and3A = arith.constant 31 : i32
      %and3A_164 = arith.andi %add3A_162, %and3A : i32
      %mul3A_165 = arith.constant 31 : i32
      %mul3A_166 = arith.muli %shift_right_arithmetic3A_163, %mul3A_165 : i32
      %add3A_167 = arith.addi %mul3A_166, %scan3A_159 : i32
      %mul3A_168 = arith.constant 32 : i32
      %mul3A_169 = arith.muli %add3A_167, %mul3A_168 : i32
      %add3A_170 = arith.addi %mul3A_169, %and3A_164 : i32
      %mul3A_171 = arith.constant 2048 : i32
      %mul3A_172 = arith.muli %add3A_170, %mul3A_171 : i32
      %mul3A_173 = arith.constant 1024 : i32
      %mul3A_174 = arith.muli %scan3A_159, %mul3A_173 : i32
      %dma_start3A_175 = tpu.memref_slice %arg5[%mul3A_174] : memref<32768xf32, #tpu.memory_space<vmem>> -> memref<2048xf32, #tpu.memory_space<vmem>>
      %dma_start3A_176 = tpu.memref_slice %arg3[%mul3A_172] : memref<32505856xf32, #tpu.memory_space<hbm>> -> memref<2048xf32, #tpu.memory_space<hbm>>
      %dma_start3A_177 = tpu.memref_slice %arg3[%mul3A_172] : memref<32505856xf32, #tpu.memory_space<hbm>> -> memref<2048xf32, #tpu.memory_space<hbm>>
      %dma_start3A_178 = tpu.memref_slice %arg5[%mul3A_174] : memref<32768xf32, #tpu.memory_space<vmem>> -> memref<2048xf32, #tpu.memory_space<vmem>>
      tpu.enqueue_dma source(%dma_start3A_178 : memref<2048xf32, #tpu.memory_space<vmem>>) target(%dma_start3A_177 : memref<2048xf32, #tpu.memory_space<hbm>>) target_semaphore(%arg9 : memref<!tpu.dma_semaphore, #tpu.memory_space<semaphore_mem>>)
      %scan3A_179 = arith.constant 0 : i32
      scf.yield %scan3A_179 : i32
    }
    %scan3A_124 = arith.constant 31 : i32
    %scan3A_125 = arith.constant 0 : i32
    %scan3A_126 = arith.constant 0 : i32
    %scan3A_127 = arith.constant 31 : i32
    %scan3A_128 = arith.addi %scan3A_126, %scan3A_127 : i32
    %scan3A_129 = arith.constant 1 : i32
    %scan3A_130 = scf.for %scan3A_159 = %scan3A_126 to %scan3A_128 step %scan3A_129 iter_args(%scan3A_160 = %scan3A_125) -> (i32)  : i32 {
      %add3A_161 = arith.constant 0 : i32
      %add3A_162 = arith.addi %add3A, %add3A_161 : i32
      %shift_right_arithmetic3A = arith.constant 5 : i32
      %shift_right_arithmetic3A_163 = arith.shrsi %add3A_162, %shift_right_arithmetic3A : i32
      %and3A = arith.constant 31 : i32
      %and3A_164 = arith.andi %add3A_162, %and3A : i32
      %mul3A_165 = arith.constant 31 : i32
      %mul3A_166 = arith.muli %shift_right_arithmetic3A_163, %mul3A_165 : i32
      %add3A_167 = arith.addi %mul3A_166, %scan3A_159 : i32
      %mul3A_168 = arith.constant 32 : i32
      %mul3A_169 = arith.muli %add3A_167, %mul3A_168 : i32
      %add3A_170 = arith.addi %mul3A_169, %and3A_164 : i32
      %mul3A_171 = arith.constant 2048 : i32
      %mul3A_172 = arith.muli %add3A_170, %mul3A_171 : i32
      %mul3A_173 = arith.constant 1024 : i32
      %mul3A_174 = arith.muli %scan3A_159, %mul3A_173 : i32
      %dma_wait3A_175 = tpu.memref_slice %arg4[%mul3A_174] : memref<32768xf32, #tpu.memory_space<vmem>> -> memref<2048xf32, #tpu.memory_space<vmem>>
      %dma_wait3A_176 = tpu.memref_slice %arg3[%mul3A_172] : memref<32505856xf32, #tpu.memory_space<hbm>> -> memref<2048xf32, #tpu.memory_space<hbm>>
      %dma_wait3A_177 = tpu.memref_slice %arg3[%mul3A_172] : memref<32505856xf32, #tpu.memory_space<hbm>> -> memref<2048xf32, #tpu.memory_space<hbm>>
      %dma_wait3A_178 = tpu.memref_slice %arg4[%mul3A_174] : memref<32768xf32, #tpu.memory_space<vmem>> -> memref<2048xf32, #tpu.memory_space<vmem>>
      tpu.wait_dma2 semaphore(%arg8 : memref<!tpu.dma_semaphore, #tpu.memory_space<semaphore_mem>>) src(%dma_wait3A_178 : memref<2048xf32, #tpu.memory_space<vmem>>) dst(%dma_wait3A_177 : memref<2048xf32, #tpu.memory_space<hbm>>)
      %scan3A_179 = arith.constant 0 : i32
      scf.yield %scan3A_179 : i32
    }
    %scan3A_131 = arith.constant 31 : i32
    %add3A_132 = arith.constant 64 : i32
    %add3A_133 = arith.addi %add3A, %add3A_132 : i32
    %mul3A_134 = arith.constant 32768 : i32
    %mul3A_135 = arith.muli %add3A_133, %mul3A_134 : i32
    %dma_start3A_136 = tpu.memref_slice %arg2[%mul3A_135] : memref<16777216xf32, #tpu.memory_space<hbm>> -> memref<32768xf32, #tpu.memory_space<hbm>>
    %dma_start3A_137 = tpu.memref_slice %arg2[%mul3A_135] : memref<16777216xf32, #tpu.memory_space<hbm>> -> memref<32768xf32, #tpu.memory_space<hbm>>
    tpu.enqueue_dma source(%dma_start3A_137 : memref<32768xf32, #tpu.memory_space<hbm>>) target(%arg4 : memref<32768xf32, #tpu.memory_space<vmem>>) target_semaphore(%arg6 : memref<!tpu.dma_semaphore, #tpu.memory_space<semaphore_mem>>)
    %scan3A_138 = arith.constant 0 : i32
    %scan3A_139 = arith.constant 1 : i32
    %scan3A_140 = arith.constant 7 : i32
    %scan3A_141 = arith.addi %scan3A_139, %scan3A_140 : i32
    %scan3A_142 = arith.constant 1 : i32
    %scan3A_143 = scf.for %scan3A_159 = %scan3A_139 to %scan3A_141 step %scan3A_142 iter_args(%scan3A_160 = %scan3A_138) -> (i32)  : i32 {
      %mul3A_161 = arith.constant 2 : i32
      %mul3A_162 = arith.muli %scan3A_159, %mul3A_161 : i32
      %mul3A_163 = arith.constant 32 : i32
      %mul3A_164 = arith.muli %mul3A_162, %mul3A_163 : i32
      %add3A_165 = arith.addi %add3A, %mul3A_164 : i32
      %mul3A_166 = arith.constant 32768 : i32
      %mul3A_167 = arith.muli %add3A_165, %mul3A_166 : i32
      %dma_wait3A_168 = tpu.memref_slice %arg2[%mul3A_167] : memref<16777216xf32, #tpu.memory_space<hbm>> -> memref<32768xf32, #tpu.memory_space<hbm>>
      %dma_wait3A_169 = tpu.memref_slice %arg2[%mul3A_167] : memref<16777216xf32, #tpu.memory_space<hbm>> -> memref<32768xf32, #tpu.memory_space<hbm>>
      tpu.wait_dma2 semaphore(%arg6 : memref<!tpu.dma_semaphore, #tpu.memory_space<semaphore_mem>>) src(%dma_wait3A_169 : memref<32768xf32, #tpu.memory_space<hbm>>) dst(%arg4 : memref<32768xf32, #tpu.memory_space<vmem>>)
      %scan3A_170 = arith.constant 0 : i32
      %scan3A_171 = arith.constant 0 : i32
      %scan3A_172 = arith.constant 31 : i32
      %scan3A_173 = arith.addi %scan3A_171, %scan3A_172 : i32
      %scan3A_174 = arith.constant 1 : i32
      %scan3A_175 = scf.for %scan3A_207 = %scan3A_171 to %scan3A_173 step %scan3A_174 iter_args(%scan3A_208 = %scan3A_170) -> (i32)  : i32 {
        %mul3A_209 = arith.constant 32 : i32
        %mul3A_210 = arith.muli %mul3A_162, %mul3A_209 : i32
        %add3A_211 = arith.addi %add3A, %mul3A_210 : i32
        %shift_right_arithmetic3A = arith.constant 5 : i32
        %shift_right_arithmetic3A_212 = arith.shrsi %add3A_211, %shift_right_arithmetic3A : i32
        %and3A = arith.constant 31 : i32
        %and3A_213 = arith.andi %add3A_211, %and3A : i32
        %mul3A_214 = arith.constant 31 : i32
        %mul3A_215 = arith.muli %shift_right_arithmetic3A_212, %mul3A_214 : i32
        %add3A_216 = arith.addi %mul3A_215, %scan3A_207 : i32
        %mul3A_217 = arith.constant 32 : i32
        %mul3A_218 = arith.muli %add3A_216, %mul3A_217 : i32
        %add3A_219 = arith.addi %mul3A_218, %and3A_213 : i32
        %mul3A_220 = arith.constant 2048 : i32
        %mul3A_221 = arith.muli %add3A_219, %mul3A_220 : i32
        %mul3A_222 = arith.constant 1024 : i32
        %mul3A_223 = arith.muli %scan3A_207, %mul3A_222 : i32
        %dma_start3A_224 = tpu.memref_slice %arg4[%mul3A_223] : memref<32768xf32, #tpu.memory_space<vmem>> -> memref<2048xf32, #tpu.memory_space<vmem>>
        %dma_start3A_225 = tpu.memref_slice %arg3[%mul3A_221] : memref<32505856xf32, #tpu.memory_space<hbm>> -> memref<2048xf32, #tpu.memory_space<hbm>>
        %dma_start3A_226 = tpu.memref_slice %arg3[%mul3A_221] : memref<32505856xf32, #tpu.memory_space<hbm>> -> memref<2048xf32, #tpu.memory_space<hbm>>
        %dma_start3A_227 = tpu.memref_slice %arg4[%mul3A_223] : memref<32768xf32, #tpu.memory_space<vmem>> -> memref<2048xf32, #tpu.memory_space<vmem>>
        tpu.enqueue_dma source(%dma_start3A_227 : memref<2048xf32, #tpu.memory_space<vmem>>) target(%dma_start3A_226 : memref<2048xf32, #tpu.memory_space<hbm>>) target_semaphore(%arg8 : memref<!tpu.dma_semaphore, #tpu.memory_space<semaphore_mem>>)
        %scan3A_228 = arith.constant 0 : i32
        scf.yield %scan3A_228 : i32
      }
      %scan3A_176 = arith.constant 31 : i32
      %add3A_177 = arith.constant 1 : i32
      %add3A_178 = arith.addi %mul3A_162, %add3A_177 : i32
      %lt3A = arith.constant 16 : i32
      %lt3A_179 = arith.cmpi slt, %add3A_178, %lt3A : i32
      %convert_element_type3A = arith.extui %lt3A_179 : i1 to i32
      %cond3A = arith.constant 0 : i32
      %cond3A_180 = arith.cmpi ne, %convert_element_type3A, %cond3A : i32
      scf.if %cond3A_180 {
        %ge3A = arith.constant 1 : i32
        %ge3A_207 = arith.cmpi sge, %mul3A_162, %ge3A : i32
        %convert_element_type3A_208 = arith.extui %ge3A_207 : i1 to i32
        %cond3A_209 = arith.constant 0 : i32
        %cond3A_210 = arith.cmpi ne, %convert_element_type3A_208, %cond3A_209 : i32
        scf.if %cond3A_210 {
          %sub3A = arith.constant 1 : i32
          %sub3A_220 = arith.subi %mul3A_162, %sub3A : i32
          %scan3A_221 = arith.constant 0 : i32
          %scan3A_222 = arith.constant 0 : i32
          %scan3A_223 = arith.constant 31 : i32
          %scan3A_224 = arith.addi %scan3A_222, %scan3A_223 : i32
          %scan3A_225 = arith.constant 1 : i32
          %scan3A_226 = scf.for %scan3A_228 = %scan3A_222 to %scan3A_224 step %scan3A_225 iter_args(%scan3A_229 = %scan3A_221) -> (i32)  : i32 {
            %mul3A_230 = arith.constant 32 : i32
            %mul3A_231 = arith.muli %sub3A_220, %mul3A_230 : i32
            %add3A_232 = arith.addi %add3A, %mul3A_231 : i32
            %shift_right_arithmetic3A = arith.constant 5 : i32
            %shift_right_arithmetic3A_233 = arith.shrsi %add3A_232, %shift_right_arithmetic3A : i32
            %and3A = arith.constant 31 : i32
            %and3A_234 = arith.andi %add3A_232, %and3A : i32
            %mul3A_235 = arith.constant 31 : i32
            %mul3A_236 = arith.muli %shift_right_arithmetic3A_233, %mul3A_235 : i32
            %add3A_237 = arith.addi %mul3A_236, %scan3A_228 : i32
            %mul3A_238 = arith.constant 32 : i32
            %mul3A_239 = arith.muli %add3A_237, %mul3A_238 : i32
            %add3A_240 = arith.addi %mul3A_239, %and3A_234 : i32
            %mul3A_241 = arith.constant 2048 : i32
            %mul3A_242 = arith.muli %add3A_240, %mul3A_241 : i32
            %mul3A_243 = arith.constant 1024 : i32
            %mul3A_244 = arith.muli %scan3A_228, %mul3A_243 : i32
            %dma_wait3A_245 = tpu.memref_slice %arg5[%mul3A_244] : memref<32768xf32, #tpu.memory_space<vmem>> -> memref<2048xf32, #tpu.memory_space<vmem>>
            %dma_wait3A_246 = tpu.memref_slice %arg3[%mul3A_242] : memref<32505856xf32, #tpu.memory_space<hbm>> -> memref<2048xf32, #tpu.memory_space<hbm>>
            %dma_wait3A_247 = tpu.memref_slice %arg3[%mul3A_242] : memref<32505856xf32, #tpu.memory_space<hbm>> -> memref<2048xf32, #tpu.memory_space<hbm>>
            %dma_wait3A_248 = tpu.memref_slice %arg5[%mul3A_244] : memref<32768xf32, #tpu.memory_space<vmem>> -> memref<2048xf32, #tpu.memory_space<vmem>>
            tpu.wait_dma2 semaphore(%arg9 : memref<!tpu.dma_semaphore, #tpu.memory_space<semaphore_mem>>) src(%dma_wait3A_248 : memref<2048xf32, #tpu.memory_space<vmem>>) dst(%dma_wait3A_247 : memref<2048xf32, #tpu.memory_space<hbm>>)
            %scan3A_249 = arith.constant 0 : i32
            scf.yield %scan3A_249 : i32
          }
          %scan3A_227 = arith.constant 31 : i32
        } else {
        }
        %add3A_211 = arith.constant 1 : i32
        %add3A_212 = arith.addi %mul3A_162, %add3A_211 : i32
        %mul3A_213 = arith.constant 32 : i32
        %mul3A_214 = arith.muli %add3A_212, %mul3A_213 : i32
        %add3A_215 = arith.addi %add3A, %mul3A_214 : i32
        %mul3A_216 = arith.constant 32768 : i32
        %mul3A_217 = arith.muli %add3A_215, %mul3A_216 : i32
        %dma_start3A_218 = tpu.memref_slice %arg2[%mul3A_217] : memref<16777216xf32, #tpu.memory_space<hbm>> -> memref<32768xf32, #tpu.memory_space<hbm>>
        %dma_start3A_219 = tpu.memref_slice %arg2[%mul3A_217] : memref<16777216xf32, #tpu.memory_space<hbm>> -> memref<32768xf32, #tpu.memory_space<hbm>>
        tpu.enqueue_dma source(%dma_start3A_219 : memref<32768xf32, #tpu.memory_space<hbm>>) target(%arg5 : memref<32768xf32, #tpu.memory_space<vmem>>) target_semaphore(%arg7 : memref<!tpu.dma_semaphore, #tpu.memory_space<semaphore_mem>>)
      } else {
      }
      %mul3A_181 = arith.constant 2 : i32
      %mul3A_182 = arith.muli %scan3A_159, %mul3A_181 : i32
      %add3A_183 = arith.constant 1 : i32
      %add3A_184 = arith.addi %mul3A_182, %add3A_183 : i32
      %mul3A_185 = arith.constant 32 : i32
      %mul3A_186 = arith.muli %add3A_184, %mul3A_185 : i32
      %add3A_187 = arith.addi %add3A, %mul3A_186 : i32
      %mul3A_188 = arith.constant 32768 : i32
      %mul3A_189 = arith.muli %add3A_187, %mul3A_188 : i32
      %dma_wait3A_190 = tpu.memref_slice %arg2[%mul3A_189] : memref<16777216xf32, #tpu.memory_space<hbm>> -> memref<32768xf32, #tpu.memory_space<hbm>>
      %dma_wait3A_191 = tpu.memref_slice %arg2[%mul3A_189] : memref<16777216xf32, #tpu.memory_space<hbm>> -> memref<32768xf32, #tpu.memory_space<hbm>>
      tpu.wait_dma2 semaphore(%arg7 : memref<!tpu.dma_semaphore, #tpu.memory_space<semaphore_mem>>) src(%dma_wait3A_191 : memref<32768xf32, #tpu.memory_space<hbm>>) dst(%arg5 : memref<32768xf32, #tpu.memory_space<vmem>>)
      %scan3A_192 = arith.constant 0 : i32
      %scan3A_193 = arith.constant 0 : i32
      %scan3A_194 = arith.constant 31 : i32
      %scan3A_195 = arith.addi %scan3A_193, %scan3A_194 : i32
      %scan3A_196 = arith.constant 1 : i32
      %scan3A_197 = scf.for %scan3A_207 = %scan3A_193 to %scan3A_195 step %scan3A_196 iter_args(%scan3A_208 = %scan3A_192) -> (i32)  : i32 {
        %mul3A_209 = arith.constant 32 : i32
        %mul3A_210 = arith.muli %add3A_184, %mul3A_209 : i32
        %add3A_211 = arith.addi %add3A, %mul3A_210 : i32
        %shift_right_arithmetic3A = arith.constant 5 : i32
        %shift_right_arithmetic3A_212 = arith.shrsi %add3A_211, %shift_right_arithmetic3A : i32
        %and3A = arith.constant 31 : i32
        %and3A_213 = arith.andi %add3A_211, %and3A : i32
        %mul3A_214 = arith.constant 31 : i32
        %mul3A_215 = arith.muli %shift_right_arithmetic3A_212, %mul3A_214 : i32
        %add3A_216 = arith.addi %mul3A_215, %scan3A_207 : i32
        %mul3A_217 = arith.constant 32 : i32
        %mul3A_218 = arith.muli %add3A_216, %mul3A_217 : i32
        %add3A_219 = arith.addi %mul3A_218, %and3A_213 : i32
        %mul3A_220 = arith.constant 2048 : i32
        %mul3A_221 = arith.muli %add3A_219, %mul3A_220 : i32
        %mul3A_222 = arith.constant 1024 : i32
        %mul3A_223 = arith.muli %scan3A_207, %mul3A_222 : i32
        %dma_start3A_224 = tpu.memref_slice %arg5[%mul3A_223] : memref<32768xf32, #tpu.memory_space<vmem>> -> memref<2048xf32, #tpu.memory_space<vmem>>
        %dma_start3A_225 = tpu.memref_slice %arg3[%mul3A_221] : memref<32505856xf32, #tpu.memory_space<hbm>> -> memref<2048xf32, #tpu.memory_space<hbm>>
        %dma_start3A_226 = tpu.memref_slice %arg3[%mul3A_221] : memref<32505856xf32, #tpu.memory_space<hbm>> -> memref<2048xf32, #tpu.memory_space<hbm>>
        %dma_start3A_227 = tpu.memref_slice %arg5[%mul3A_223] : memref<32768xf32, #tpu.memory_space<vmem>> -> memref<2048xf32, #tpu.memory_space<vmem>>
        tpu.enqueue_dma source(%dma_start3A_227 : memref<2048xf32, #tpu.memory_space<vmem>>) target(%dma_start3A_226 : memref<2048xf32, #tpu.memory_space<hbm>>) target_semaphore(%arg9 : memref<!tpu.dma_semaphore, #tpu.memory_space<semaphore_mem>>)
        %scan3A_228 = arith.constant 0 : i32
        scf.yield %scan3A_228 : i32
      }
      %scan3A_198 = arith.constant 31 : i32
      %add3A_199 = arith.constant 1 : i32
      %add3A_200 = arith.addi %add3A_184, %add3A_199 : i32
      %lt3A_201 = arith.constant 16 : i32
      %lt3A_202 = arith.cmpi slt, %add3A_200, %lt3A_201 : i32
      %convert_element_type3A_203 = arith.extui %lt3A_202 : i1 to i32
      %cond3A_204 = arith.constant 0 : i32
      %cond3A_205 = arith.cmpi ne, %convert_element_type3A_203, %cond3A_204 : i32
      scf.if %cond3A_205 {
        %ge3A = arith.constant 1 : i32
        %ge3A_207 = arith.cmpi sge, %add3A_184, %ge3A : i32
        %convert_element_type3A_208 = arith.extui %ge3A_207 : i1 to i32
        %cond3A_209 = arith.constant 0 : i32
        %cond3A_210 = arith.cmpi ne, %convert_element_type3A_208, %cond3A_209 : i32
        scf.if %cond3A_210 {
          %sub3A = arith.constant 1 : i32
          %sub3A_220 = arith.subi %add3A_184, %sub3A : i32
          %scan3A_221 = arith.constant 0 : i32
          %scan3A_222 = arith.constant 0 : i32
          %scan3A_223 = arith.constant 31 : i32
          %scan3A_224 = arith.addi %scan3A_222, %scan3A_223 : i32
          %scan3A_225 = arith.constant 1 : i32
          %scan3A_226 = scf.for %scan3A_228 = %scan3A_222 to %scan3A_224 step %scan3A_225 iter_args(%scan3A_229 = %scan3A_221) -> (i32)  : i32 {
            %mul3A_230 = arith.constant 32 : i32
            %mul3A_231 = arith.muli %sub3A_220, %mul3A_230 : i32
            %add3A_232 = arith.addi %add3A, %mul3A_231 : i32
            %shift_right_arithmetic3A = arith.constant 5 : i32
            %shift_right_arithmetic3A_233 = arith.shrsi %add3A_232, %shift_right_arithmetic3A : i32
            %and3A = arith.constant 31 : i32
            %and3A_234 = arith.andi %add3A_232, %and3A : i32
            %mul3A_235 = arith.constant 31 : i32
            %mul3A_236 = arith.muli %shift_right_arithmetic3A_233, %mul3A_235 : i32
            %add3A_237 = arith.addi %mul3A_236, %scan3A_228 : i32
            %mul3A_238 = arith.constant 32 : i32
            %mul3A_239 = arith.muli %add3A_237, %mul3A_238 : i32
            %add3A_240 = arith.addi %mul3A_239, %and3A_234 : i32
            %mul3A_241 = arith.constant 2048 : i32
            %mul3A_242 = arith.muli %add3A_240, %mul3A_241 : i32
            %mul3A_243 = arith.constant 1024 : i32
            %mul3A_244 = arith.muli %scan3A_228, %mul3A_243 : i32
            %dma_wait3A_245 = tpu.memref_slice %arg4[%mul3A_244] : memref<32768xf32, #tpu.memory_space<vmem>> -> memref<2048xf32, #tpu.memory_space<vmem>>
            %dma_wait3A_246 = tpu.memref_slice %arg3[%mul3A_242] : memref<32505856xf32, #tpu.memory_space<hbm>> -> memref<2048xf32, #tpu.memory_space<hbm>>
            %dma_wait3A_247 = tpu.memref_slice %arg3[%mul3A_242] : memref<32505856xf32, #tpu.memory_space<hbm>> -> memref<2048xf32, #tpu.memory_space<hbm>>
            %dma_wait3A_248 = tpu.memref_slice %arg4[%mul3A_244] : memref<32768xf32, #tpu.memory_space<vmem>> -> memref<2048xf32, #tpu.memory_space<vmem>>
            tpu.wait_dma2 semaphore(%arg8 : memref<!tpu.dma_semaphore, #tpu.memory_space<semaphore_mem>>) src(%dma_wait3A_248 : memref<2048xf32, #tpu.memory_space<vmem>>) dst(%dma_wait3A_247 : memref<2048xf32, #tpu.memory_space<hbm>>)
            %scan3A_249 = arith.constant 0 : i32
            scf.yield %scan3A_249 : i32
          }
          %scan3A_227 = arith.constant 31 : i32
        } else {
        }
        %add3A_211 = arith.constant 1 : i32
        %add3A_212 = arith.addi %add3A_184, %add3A_211 : i32
        %mul3A_213 = arith.constant 32 : i32
        %mul3A_214 = arith.muli %add3A_212, %mul3A_213 : i32
        %add3A_215 = arith.addi %add3A, %mul3A_214 : i32
        %mul3A_216 = arith.constant 32768 : i32
        %mul3A_217 = arith.muli %add3A_215, %mul3A_216 : i32
        %dma_start3A_218 = tpu.memref_slice %arg2[%mul3A_217] : memref<16777216xf32, #tpu.memory_space<hbm>> -> memref<32768xf32, #tpu.memory_space<hbm>>
        %dma_start3A_219 = tpu.memref_slice %arg2[%mul3A_217] : memref<16777216xf32, #tpu.memory_space<hbm>> -> memref<32768xf32, #tpu.memory_space<hbm>>
        tpu.enqueue_dma source(%dma_start3A_219 : memref<32768xf32, #tpu.memory_space<hbm>>) target(%arg4 : memref<32768xf32, #tpu.memory_space<vmem>>) target_semaphore(%arg6 : memref<!tpu.dma_semaphore, #tpu.memory_space<semaphore_mem>>)
      } else {
      }
      %scan3A_206 = arith.constant 0 : i32
      scf.yield %scan3A_206 : i32
    }
    %scan3A_144 = arith.constant 7 : i32
    %scan3A_145 = arith.constant 0 : i32
    %scan3A_146 = arith.constant 0 : i32
    %scan3A_147 = arith.constant 31 : i32
    %scan3A_148 = arith.addi %scan3A_146, %scan3A_147 : i32
    %scan3A_149 = arith.constant 1 : i32
    %scan3A_150 = scf.for %scan3A_159 = %scan3A_146 to %scan3A_148 step %scan3A_149 iter_args(%scan3A_160 = %scan3A_145) -> (i32)  : i32 {
      %add3A_161 = arith.constant 448 : i32
      %add3A_162 = arith.addi %add3A, %add3A_161 : i32
      %shift_right_arithmetic3A = arith.constant 5 : i32
      %shift_right_arithmetic3A_163 = arith.shrsi %add3A_162, %shift_right_arithmetic3A : i32
      %and3A = arith.constant 31 : i32
      %and3A_164 = arith.andi %add3A_162, %and3A : i32
      %mul3A_165 = arith.constant 31 : i32
      %mul3A_166 = arith.muli %shift_right_arithmetic3A_163, %mul3A_165 : i32
      %add3A_167 = arith.addi %mul3A_166, %scan3A_159 : i32
      %mul3A_168 = arith.constant 32 : i32
      %mul3A_169 = arith.muli %add3A_167, %mul3A_168 : i32
      %add3A_170 = arith.addi %mul3A_169, %and3A_164 : i32
      %mul3A_171 = arith.constant 2048 : i32
      %mul3A_172 = arith.muli %add3A_170, %mul3A_171 : i32
      %mul3A_173 = arith.constant 1024 : i32
      %mul3A_174 = arith.muli %scan3A_159, %mul3A_173 : i32
      %dma_wait3A_175 = tpu.memref_slice %arg4[%mul3A_174] : memref<32768xf32, #tpu.memory_space<vmem>> -> memref<2048xf32, #tpu.memory_space<vmem>>
      %dma_wait3A_176 = tpu.memref_slice %arg3[%mul3A_172] : memref<32505856xf32, #tpu.memory_space<hbm>> -> memref<2048xf32, #tpu.memory_space<hbm>>
      %dma_wait3A_177 = tpu.memref_slice %arg3[%mul3A_172] : memref<32505856xf32, #tpu.memory_space<hbm>> -> memref<2048xf32, #tpu.memory_space<hbm>>
      %dma_wait3A_178 = tpu.memref_slice %arg4[%mul3A_174] : memref<32768xf32, #tpu.memory_space<vmem>> -> memref<2048xf32, #tpu.memory_space<vmem>>
      tpu.wait_dma2 semaphore(%arg8 : memref<!tpu.dma_semaphore, #tpu.memory_space<semaphore_mem>>) src(%dma_wait3A_178 : memref<2048xf32, #tpu.memory_space<vmem>>) dst(%dma_wait3A_177 : memref<2048xf32, #tpu.memory_space<hbm>>)
      %scan3A_179 = arith.constant 0 : i32
      scf.yield %scan3A_179 : i32
    }
    %scan3A_151 = arith.constant 31 : i32
    %scan3A_152 = arith.constant 0 : i32
    %scan3A_153 = arith.constant 0 : i32
    %scan3A_154 = arith.constant 31 : i32
    %scan3A_155 = arith.addi %scan3A_153, %scan3A_154 : i32
    %scan3A_156 = arith.constant 1 : i32
    %scan3A_157 = scf.for %scan3A_159 = %scan3A_153 to %scan3A_155 step %scan3A_156 iter_args(%scan3A_160 = %scan3A_152) -> (i32)  : i32 {
      %add3A_161 = arith.constant 480 : i32
      %add3A_162 = arith.addi %add3A, %add3A_161 : i32
      %shift_right_arithmetic3A = arith.constant 5 : i32
      %shift_right_arithmetic3A_163 = arith.shrsi %add3A_162, %shift_right_arithmetic3A : i32
      %and3A = arith.constant 31 : i32
      %and3A_164 = arith.andi %add3A_162, %and3A : i32
      %mul3A_165 = arith.constant 31 : i32
      %mul3A_166 = arith.muli %shift_right_arithmetic3A_163, %mul3A_165 : i32
      %add3A_167 = arith.addi %mul3A_166, %scan3A_159 : i32
      %mul3A_168 = arith.constant 32 : i32
      %mul3A_169 = arith.muli %add3A_167, %mul3A_168 : i32
      %add3A_170 = arith.addi %mul3A_169, %and3A_164 : i32
      %mul3A_171 = arith.constant 2048 : i32
      %mul3A_172 = arith.muli %add3A_170, %mul3A_171 : i32
      %mul3A_173 = arith.constant 1024 : i32
      %mul3A_174 = arith.muli %scan3A_159, %mul3A_173 : i32
      %dma_wait3A_175 = tpu.memref_slice %arg5[%mul3A_174] : memref<32768xf32, #tpu.memory_space<vmem>> -> memref<2048xf32, #tpu.memory_space<vmem>>
      %dma_wait3A_176 = tpu.memref_slice %arg3[%mul3A_172] : memref<32505856xf32, #tpu.memory_space<hbm>> -> memref<2048xf32, #tpu.memory_space<hbm>>
      %dma_wait3A_177 = tpu.memref_slice %arg3[%mul3A_172] : memref<32505856xf32, #tpu.memory_space<hbm>> -> memref<2048xf32, #tpu.memory_space<hbm>>
      %dma_wait3A_178 = tpu.memref_slice %arg5[%mul3A_174] : memref<32768xf32, #tpu.memory_space<vmem>> -> memref<2048xf32, #tpu.memory_space<vmem>>
      tpu.wait_dma2 semaphore(%arg9 : memref<!tpu.dma_semaphore, #tpu.memory_space<semaphore_mem>>) src(%dma_wait3A_178 : memref<2048xf32, #tpu.memory_space<vmem>>) dst(%dma_wait3A_177 : memref<2048xf32, #tpu.memory_space<hbm>>)
      %scan3A_179 = arith.constant 0 : i32
      scf.yield %scan3A_179 : i32
    }
    %scan3A_158 = arith.constant 31 : i32
    return
  }
}

</mosaic_0001>

<sc_bundles>
// kernel: kernel.3.cloned.1.call-start
scs
__scs_entry_jumppad:
0x0: {  	(pc) =	sbr.rel $0x88, $3  }
0x1: {  	(tag) =	ssettag $0x0;
	lr =	simm.s32 $0x1  }
0x2: {  	[smem:$0x3FA0] =	sst lr;
	_ =	strace $0xD0000000  }
0x3: {  	_ = 	snop  }
0x4: {  	_ = 	snop  }
0x5: {  	_ = 	snop  }
0x6: {  	_ = 	snop  }
0x7: {  	_ = 	snop  }
__scs_overlays_trampoline_lowered:
0x8: {  	[smem:$0x3FAF] =	sst s0  }
0x9: {  	[smem:$0x3FB0] =	sst s1  }
0xa: {  	[smem:$0x3FB1] =	sst s2  }
0xb: {  	[smem:$0x3FB2] =	sst s3  }
0xc: {  	[smem:$0x3FB3] =	sst s4  }
0xd: {  	[smem:$0x3FB4] =	sst s5  }
0xe: {  	[smem:$0x3FB5] =	sst s6  }
0xf: {  	[smem:$0x3FB6] =	sst s7  }
0x10: {  	[smem:$0x3FB7] =	sst s8  }
0x11: {  	[smem:$0x3FB8] =	sst s9;
	s0 =	simm.s32 @!p0 $0x0  }
0x12: {  	s1 =	sld [smem:$0x3F9E];
	s0 =	simm.s32 @p0 $0x1  }
0x13: {  	[smem:$0x3FB9] =	sst s0;
	s0 =	simm.s32 @!p1 $0x0  }
0x14: {  	s2 =	sld [smem:$0x3F9D];
	s0 =	simm.s32 @p1 $0x1  }
0x15: {  	[smem:$0x3FBA] =	sst s0;
	s0 =	simm.s32 @!p2 $0x0  }
0x16: {  	s3 =	sld [smem:$0x3FDB];
	s0 =	simm.s32 @p2 $0x1  }
0x17: {  	s4 =	simm.s32 $0x1BF5;
	[smem:$0x3FBC] =	sst s0  }
0x18: {  	s0 =	sld [smem:$0x3F9F];
	_ =	swait.ge [sflag:s4], $0x0  }
0x19: {  	s7 =	sld [smem:$0x3FA0]  }
0x1a: {  	s8 =	sadd.s32 $0xFFFFE003, lr  }
0x1b: {  	s9 =	sadd.s32 $0xFFFFFEF7, lr;
	s5 =	simm.s32 $0xFFFFFFFF;
	p2 =	slt.u32 s8, $0xFFFFF086  }
0x1c: {  	p1 =	slt.u32 s9, $0xF7A;
	s5 =	simm.s32 @!p2 $0x0  }
0x1d: {  	s5 =	simm.s32 @p1 $0x1;
	p0 =	seq.s32 s7, s2  }
0x1e: {  	s7 =	smul.u32 @!p0 $0xF7A, s2;
	p2 =	seq.s32 @!p0 s5, $0x0  }
0x1f: {  	s9 =	smul.u32 $0xF7A, s1;
	s8 =	simm.s32 @!p0 $0x1BF5;
	p2 =	por !p2, p0  }
0x20: {  	[sflag:s8] =	ssyncset.s32 @!p0 $0xFFFFF086;
	s6 =	sadd.s32 @!p0 s3, s7;
	s7 =	simm.s32 @!p0 $0x108  }
0x21: {  	s3 =	sadd.s32 s3, s9;
	s6 =	sadd.s32 @!p0 $0x88, s6;
	s7 =	simm.s32 @p2 $0x1082  }
0x22: {  	[simem:s7], [sflag:s8] =	dma.local @!p0 [hbm:s6], $0xF7A  }
0x23: {  	s9 =	sor.u32 $0xD0000000, s2;
	s6 =	simm.s32 $0x108;
	_ =	swait.ge @!p0 [sflag:s8], $0x0  }
0x24: {  	s3 =	sadd.s32 $0x88, s3;
	s6 =	simm.s32 @!p1 $0x1082;
	[sflag:s4] =	ssyncset.s32 $0xFFFFF086  }
0x25: {  	[simem:s6], [sflag:s4] =	dma.local [hbm:s3], $0xF7A  }
0x26: {  	[smem:$0x3FA0] =	sst s1;
	(tag) =	ssettag s2;
	_ =	strace s9  }
0x27: {  	s1 =	sld [smem:$0x3FB0]  }
0x28: {  	s2 =	sld [smem:$0x3FB1]  }
0x29: {  	s4 =	sld [smem:$0x3FB3]  }
0x2a: {  	p0 =	seq.s32 s5, $0x0;
	s5 =	sld [smem:$0x3FB4]  }
0x2b: {  	s6 =	sld [smem:$0x3FB5]  }
0x2c: {  	s7 =	sld [smem:$0x3FB6]  }
0x2d: {  	s3 =	simm.s32 $0x108;
	s8 =	sld [smem:$0x3FB7]  }
0x2e: {  	s3 =	simm.s32 @!p0 $0x1082;
	s9 =	sld [smem:$0x3FB8]  }
0x2f: {  	lr =	sadd.s32 s0, s3;
	s0 =	sld [smem:$0x3FAF]  }
0x30: {  	s3 =	sld [smem:$0x3FB2]  }
0x31: {  	[smem:$0x3FBB] =	sst s10  }
0x32: {  	s10 =	sld [smem:$0x3FB9];
	_ =	sdelay $0x3  }
0x33: {  	p0 =	seq.s32 s10, $0x1;
	s10 =	sld [smem:$0x3FBB];
	_ =	sdelay $0x3  }
0x34: {  	[smem:$0x3FBB] =	sst s10  }
0x35: {  	s10 =	sld [smem:$0x3FBA];
	_ =	sdelay $0x3  }
0x36: {  	p1 =	seq.s32 s10, $0x1;
	s10 =	sld [smem:$0x3FBB];
	_ =	sdelay $0x3  }
0x37: {  	[smem:$0x3FBB] =	sst s10  }
0x38: {  	s10 =	sld [smem:$0x3FBC]  }
0x39: {  	_ = 	snop;
	(pc) =	sbr.ind lr, $3  }
0x3a: {  	_ = 	snop  }
0x3b: {  	_ = 	snop  }
0x3c: {  	p2 =	seq.s32 s10, $0x1;
	s10 =	sld [smem:$0x3FBB]  }
0x3d: {  	_ =	shalt  }
0x3e: {  	_ =	shalt  }
0x3f: {  	_ =	shalt  }
0x40: {  	_ =	shalt  }
0x41: {  	_ =	shalt  }
0x42: {  	_ =	shalt  }
0x43: {  	_ =	shalt  }
0x44: {  	_ =	shalt  }
0x45: {  	_ =	shalt  }
0x46: {  	_ =	shalt  }
0x47: {  	_ =	shalt  }
0x48: {  	_ =	shalt  }
0x49: {  	_ =	shalt  }
0x4a: {  	_ =	shalt  }
0x4b: {  	_ =	shalt  }
0x4c: {  	_ =	shalt  }
0x4d: {  	_ =	shalt  }
0x4e: {  	_ =	shalt  }
0x4f: {  	_ =	shalt  }
0x50: {  	_ =	shalt  }
0x51: {  	_ =	shalt  }
0x52: {  	_ =	shalt  }
0x53: {  	_ =	shalt  }
0x54: {  	_ =	shalt  }
0x55: {  	_ =	shalt  }
0x56: {  	_ =	shalt  }
0x57: {  	_ =	shalt  }
0x58: {  	_ =	shalt  }
0x59: {  	_ =	shalt  }
0x5a: {  	_ =	shalt  }
0x5b: {  	_ =	shalt  }
0x5c: {  	_ =	shalt  }
0x5d: {  	_ =	shalt  }
0x5e: {  	_ =	shalt  }
0x5f: {  	_ =	shalt  }
0x60: {  	_ =	shalt  }
0x61: {  	_ =	shalt  }
0x62: {  	_ =	shalt  }
0x63: {  	_ =	shalt  }
0x64: {  	_ =	shalt  }
0x65: {  	_ =	shalt  }
0x66: {  	_ =	shalt  }
0x67: {  	_ =	shalt  }
0x68: {  	_ =	shalt  }
0x69: {  	_ =	shalt  }
0x6a: {  	_ =	shalt  }
0x6b: {  	_ =	shalt  }
0x6c: {  	_ =	shalt  }
0x6d: {  	_ =	shalt  }
0x6e: {  	_ =	shalt  }
0x6f: {  	_ =	shalt  }
0x70: {  	_ =	shalt  }
0x71: {  	_ =	shalt  }
0x72: {  	_ =	shalt  }
0x73: {  	_ =	shalt  }
0x74: {  	_ =	shalt  }
0x75: {  	_ =	shalt  }
0x76: {  	_ =	shalt  }
0x77: {  	_ =	shalt  }
0x78: {  	_ =	shalt  }
0x79: {  	_ =	shalt  }
0x7a: {  	_ =	shalt  }
0x7b: {  	_ =	shalt  }
0x7c: {  	_ =	shalt  }
0x7d: {  	_ =	shalt  }
0x7e: {  	_ =	shalt  }
0x7f: {  	_ =	shalt  }
0x80: {  	_ =	shalt  }
0x81: {  	_ =	shalt  }
0x82: {  	_ =	shalt  }
0x83: {  	_ =	shalt  }
0x84: {  	_ =	shalt  }
0x85: {  	_ =	shalt  }
0x86: {  	_ =	shalt  }
0x87: {  	_ =	shalt  }
.Lfunc_end0:
.L_simem_size_0:
called_computation_lowered:
.L_overlay_start_0:
0x88: {  	s2 =	sld [smem:$0x3FD9]  }
0x89: {  	s3 =	sld [smem:$0x3FFE];
	_ =	sdelay $0x1  }
0x8a: {  	s1 =	srdreg.scid  }
0x8b: {  	s0 =	sand.u32 $0x1, s1  }
0x8c: {  	s18 =	sshll.u32 s0, $0xA;
	s2 =	sadd.s32 s3, s2  }
0x8d: {  	s2 =	sadd.s32 s2, s18  }
0x8e: {  	[smem:$0x3FC7] =	sst s2  }
0x8f: {  	_ = 	snop  }
0x90: {  	s2 =	sld [smem:$0x3FC9]  }
0x91: {  	s19 =	sld [smem:$0x3FD0];
	(tm) =	ssettm $0x1  }
0x92: {  	s4 =	sld [smem:$0x3FFB];
	_ =	sdelay $0x3  }
0x93: {  	_ =	strace s4  }
0x94: {  	s4 =	sld [smem:$0x3FFC];
	_ =	sdelay $0x3  }
0x95: {  	_ =	strace s4  }
0x96: {  	s4 =	sld [smem:$0x3FFD];
	_ =	sdelay $0x3  }
0x97: {  	_ =	strace s4  }
0x98: {  	_ =	strace $0x8FFFFFFF  }
0x99: {  	s20 =	sld [smem:$0x3FDB];
	_ =	sdelay $0x1  }
0x9a: {  	s5 =	simm.s32 $_scs_section_size  }
0x9b: {  	s6 =	simm.s32 $_size__tile_overlayer_lowered;
	s7 =	simm.s32 $_tile_overlayer_lowered  }
0x9c: {  	s23 =	simm.s32 $0x1BFF;
	s22 =	sshll.u32 s7, $0x1;
	s4 =	sadd.s32 s5, s20  }
0x9d: {  	s8 =	simm.s32 $0x0;
	s21 =	sshll.u32 s6, $0x1;
	s6 =	sadd.s32 s22, s4  }
0x9e: {  	[timem:s8], [sflag:s23] =	dma.local [hbm:s6], s21  }
0x9f: {  	_ =	swait.ge [sflag:s23], s21  }
0xa0: {  	s5 =	ssub.s32 $0x0, s21;
	[sflag:s23] =	ssyncset.done $0x0  }
0xa1: {  	[sflag:s23] =	ssyncadd.s32 s5;
	_ =	sdelay $0x1  }
0xa2: {  	s24 =	simm.s32 $0x1B8B  }
0xa3: {  	_ =	swait.ge [sflag:s24], $0x1  }
0xa4: {  	[sflag:s24] =	ssyncset.done $0x0  }
0xa5: {  	s25 =	simm.s32 $0x1B8E;
	[sflag:s24] =	ssyncadd.s32 $0xFFFFFFFF  }
0xa6: {  	s26 =	simm.s32 $execute0_lowered;
	[smem:$0x3FD2] =	sst s25  }
0xa7: {  	s5 =	sshll.u32 s26, $0x1;
	_ =	strace $0x80000046;
	[dreg:$0x1] =	wrdreg $0xFFFFFFFF  }
0xa8: {  	s28 =	simm.s32 $_size_execute0_lowered;
	s4 =	sadd.s32 s4, s5;
	[dreg:$0x0] =	wrdreg $0x0  }
0xa9: {  	s5 =	sshll.u32 s28, $0x1;
	[dreg:$0x2] =	wrdreg s4  }
0xaa: {  	[dreg:$0x3] =	wrdreg s5  }
0xab: {  	[dreg:$0x4] =	wrdreg $0xC0  }
0xac: {  	_ =	task [dreg:s8], $0x5FFFF  }
0xad: {  	[dreg:$0x1] =	wrdreg $0xFFFFFFFF  }
0xae: {  	[dreg:$0x0] =	wrdreg $0x60  }
0xaf: {  	[dreg:$0x2] =	wrdreg s2  }
0xb0: {  	[dreg:$0x3] =	wrdreg s19  }
0xb1: {  	[dreg:$0x4] =	wrdreg $0x9  }
0xb2: {  	_ =	task.clear_ibuf [dreg:s8], $0x5FFFF;
	_ =	strace $0x90000046  }
0xb3: {  	s29 =	simm.s32 $0x9;
	_ =	strace $0x80000048  }
0xb4: {  	_ =	swait.ge [sflag:s29], $0x1  }
0xb5: {  	[sflag:s29] =	ssyncadd.s32 $0xFFFFFFFF  }
0xb6: {  	_ =	strace $0x90000048  }
0xb7: {  	_ =	sfence  }
0xb8: {  	s30 =	sld [smem:$0x0];
	_ =	sdelay $0x2  }
0xb9: {  	s31 =	sshll.u32 s1, $0xD;
	s1 =	sshrl.u32 s1, $0x2  }
0xba: {  	s3 =	sand.u32 $0x4000, s31;
	s1 =	sadd.s32 s1, s30  }
0xbb: {  	s0 =	sor.u32 s3, s0;
	s1 =	sshll.u32 s1, $0x11  }
0xbc: {  	s0 =	sor.u32 s1, s0  }
0xbd: {  	s0 =	sadd.s32 $0x8F2B, s0  }
0xbe: {  	[sflag:s0] =	ssyncadd.remote.s32 $0x1  }
0xbf: {  	_ =	sfence.sel $0xFFFF  }
0xc0: {  	[dreg:$0x0] =	wrdreg $0xFFFFFFFF;
	(pc) =	sbr.abs _section_cstart, $3  }
0xc1: {  	[dreg:$0x1] =	wrdreg $0xFFFFFFFF  }
0xc2: {  	_ =	task.clear_ibuf [dreg:s8], $0x2FFFF;
	_ =	strace $0x9FFFFFFF  }
0xc3: {  	(tm) =	ssettm $0x7FFFFFFF  }
tec
execute0_lowered:
.L_overlay_start_1:
0x0: {  	(tag) =	ssettag $0x1  }
0x1: {  	s2 =	srdreg.scid;
	s8 =	stileid.u32  }
0x2: {  	s4 =	sand.u32 $0x1, s2;
	s3 =	sshll.u32 s8, $0x1  }
0x3: {  	s0 =	rddreg [dreg:$0x0];
	s6 =	sor.u32 s4, s3  }
0x4: {  	s1 =	rddreg [dreg:$0x1];
	s7 =	sshll.u32 s6, $0xC  }
0x5: {  	s2 =	simm.s32 $0x0;
	s5 =	ssub.s32 $0x2, s4;
	s3 =	sadd.s32 s0, s7  }
0x6: {  	[smem:$0x7FF] =	sst s2;
	s21 =	sshrl.u32 s5, $0x1;
	s0 =	sadd.s32 $0x400, s3  }
0x7: {  	_ =	strace $0x80000047;
	s22 =	sadd.s32 $0x800, s3;
	[dreg:$0x3] =	wrdreg s0  }
0x8: {  	s23 =	sshll.u32 s6, $0x8;
	s24 =	sadd.s32 $0xC00, s3;
	[dreg:$0x4] =	wrdreg s22  }
0x9: {  	s5 =	ssub.s32 s5, s21;
	s25 =	sadd.s32 $0x20000, s3;
	[dreg:$0x5] =	wrdreg s24  }
0xa: {  	s7 =	sadd.s32 s1, s23;
	s26 =	smax.u32 s5, $0x1;
	[dreg:$0x6] =	wrdreg s25  }
0xb: {  	s30 =	sadd.s32 $0x2000, s7;
	[dreg:$0x7] =	wrdreg s26  }
0xc: {  	s31 =	sadd.s32 $0x4000, s7;
	[dreg:$0x8] =	wrdreg s30  }
0xd: {  	s5 =	sadd.s32 $0x6000, s7;
	[dreg:$0x9] =	wrdreg s31  }
0xe: {  	s6 =	sadd.s32 $0x8000, s7;
	[dreg:$0xa] =	wrdreg s5  }
0xf: {  	s10 =	sadd.s32 $0xA000, s7;
	[dreg:$0xb] =	wrdreg s6  }
0x10: {  	s11 =	sadd.s32 $0xC000, s7;
	[dreg:$0xc] =	wrdreg s10  }
0x11: {  	s12 =	sadd.s32 $0xE000, s7;
	[dreg:$0xd] =	wrdreg s11  }
0x12: {  	s28 =	simm.s32 $0x4;
	s13 =	sadd.s32 $0x10000, s7;
	[dreg:$0xe] =	wrdreg s12  }
0x13: {  	s29 =	simm.s32 $0x0;
	s14 =	sadd.s32 $0x12000, s7;
	[dreg:$0xf] =	wrdreg s13  }
0x14: {  	s15 =	sshll.u32 s8, $0x9;
	s16 =	sadd.s32 $0x14000, s7;
	[dreg:$0x10] =	wrdreg s14  }
0x15: {  	s17 =	sshll.u32 s4, $0x8;
	s18 =	sadd.s32 $0x16000, s7;
	[dreg:$0x11] =	wrdreg s16  }
0x16: {  	s9 =	sadd.s32 $0x40000, s3;
	s19 =	sadd.s32 $0x18000, s7;
	[dreg:$0x12] =	wrdreg s18  }
0x17: {  	s20 =	sadd.s32 $0x1A000, s7;
	s21 =	sadd.s32 $0x1C000, s7;
	[dreg:$0x13] =	wrdreg s19  }
0x18: {  	s8 =	sadd.s32 $0x2E000, s7;
	s0 =	sadd.s32 s15, s1;
	[dreg:$0x16] =	wrdreg s20  }
0x19: {  	[dreg:$0x17] =	wrdreg s21;
	s22 =	sadd.s32 $0x1E000, s7;
	s24 =	sadd.s32 $0x20000, s7  }
0x1a: {  	s25 =	sadd.s32 $0x22000, s7;
	s26 =	sadd.s32 $0x24000, s7;
	s30 =	sadd.s32 $0x26000, s7  }
0x1b: {  	s31 =	sadd.s32 $0x28000, s7;
	s5 =	sadd.s32 $0x2A000, s7;
	s6 =	sadd.s32 $0x2C000, s7  }
0x1c: {  	s10 =	sadd.s32 $0x30000, s7;
	s11 =	sadd.s32 $0x32000, s7;
	s12 =	sadd.s32 $0x34000, s7  }
0x1d: {  	s13 =	sadd.s32 $0x36000, s7;
	s14 =	sadd.s32 $0x38000, s7;
	[dreg:$0x18] =	wrdreg s22  }
0x1e: {  	s15 =	sadd.s32 $0x3A000, s7;
	s16 =	sadd.s32 $0x3C000, s7;
	[dreg:$0x19] =	wrdreg s24  }
0x1f: {  	s18 =	simm.s32 $0x4000;
	s19 =	simm.s32 $0x6000;
	[dreg:$0x1a] =	wrdreg s25  }
.Ltmp0:
0x20: {  	s20 =	simm.s32 $0x1;
	[dreg:$0x1b] =	wrdreg s26;
	(pc) =	sbr.rel .LBB2_1-.Ltmp0, $4  }
0x21: {  	s21 =	simm.s32 $0x8000;
	s0 =	sadd.s32 s17, s0;
	[dreg:$0x1c] =	wrdreg s30  }
0x22: {  	[dreg:$0x1d] =	wrdreg s31;
	s17 =	simm.s32 $0x2000;
	s1 =	sadd.s32 $0x7C000, s0  }
0x23: {  	s23 =	sadd.s32 $0x3E000, s0;
	s0 =	sadd.s32 $0xBA000, s0;
	[dreg:$0x14] =	wrdreg s1  }
0x24: {  	s22 =	simm.s32 $0x2;
	s26 =	simm.s32 $0x3;
	[dreg:$0x15] =	wrdreg s0  }
.LBB2_10:
0x25: {  	_ =	swait.ge [sflag:s28], $0x800  }
0x26: {  	[sflag:s28] =	ssyncset.done $0x0  }
0x27: {  	[sflag:s28] =	ssyncadd.s32 $0xFFFFF800  }
0x28: {  	_ =	swait.ge [sflag:s28], $0x800  }
0x29: {  	[sflag:s28] =	ssyncset.done $0x0  }
0x2a: {  	[sflag:s28] =	ssyncadd.s32 $0xFFFFF800  }
0x2b: {  	_ =	swait.ge [sflag:s28], $0x800  }
0x2c: {  	[sflag:s28] =	ssyncset.done $0x0  }
0x2d: {  	[sflag:s28] =	ssyncadd.s32 $0xFFFFF800  }
0x2e: {  	_ =	swait.ge [sflag:s28], $0x800  }
0x2f: {  	[sflag:s28] =	ssyncset.done $0x0  }
0x30: {  	[sflag:s28] =	ssyncadd.s32 $0xFFFFF800  }
0x31: {  	_ =	swait.ge [sflag:s28], $0x800  }
0x32: {  	[sflag:s28] =	ssyncset.done $0x0  }
0x33: {  	[sflag:s28] =	ssyncadd.s32 $0xFFFFF800  }
0x34: {  	_ =	swait.ge [sflag:s28], $0x800  }
0x35: {  	[sflag:s28] =	ssyncset.done $0x0  }
0x36: {  	[sflag:s28] =	ssyncadd.s32 $0xFFFFF800  }
0x37: {  	_ =	swait.ge [sflag:s28], $0x800  }
0x38: {  	[sflag:s28] =	ssyncset.done $0x0  }
0x39: {  	[sflag:s28] =	ssyncadd.s32 $0xFFFFF800  }
0x3a: {  	_ =	swait.ge [sflag:s28], $0x800  }
0x3b: {  	[sflag:s28] =	ssyncset.done $0x0  }
0x3c: {  	[sflag:s28] =	ssyncadd.s32 $0xFFFFF800  }
0x3d: {  	_ =	swait.ge [sflag:s28], $0x800  }
0x3e: {  	[sflag:s28] =	ssyncset.done $0x0  }
0x3f: {  	[sflag:s28] =	ssyncadd.s32 $0xFFFFF800  }
0x40: {  	_ =	swait.ge [sflag:s28], $0x800  }
0x41: {  	[sflag:s28] =	ssyncset.done $0x0  }
0x42: {  	[sflag:s28] =	ssyncadd.s32 $0xFFFFF800  }
0x43: {  	_ =	swait.ge [sflag:s28], $0x800  }
0x44: {  	[sflag:s28] =	ssyncset.done $0x0  }
0x45: {  	[sflag:s28] =	ssyncadd.s32 $0xFFFFF800  }
0x46: {  	_ =	swait.ge [sflag:s28], $0x800  }
0x47: {  	[sflag:s28] =	ssyncset.done $0x0  }
0x48: {  	[sflag:s28] =	ssyncadd.s32 $0xFFFFF800  }
0x49: {  	_ =	swait.ge [sflag:s28], $0x800  }
0x4a: {  	[sflag:s28] =	ssyncset.done $0x0  }
0x4b: {  	[sflag:s28] =	ssyncadd.s32 $0xFFFFF800  }
0x4c: {  	_ =	swait.ge [sflag:s28], $0x800  }
0x4d: {  	[sflag:s28] =	ssyncset.done $0x0  }
0x4e: {  	[sflag:s28] =	ssyncadd.s32 $0xFFFFF800  }
0x4f: {  	_ =	swait.ge [sflag:s28], $0x800  }
0x50: {  	[sflag:s28] =	ssyncset.done $0x0  }
0x51: {  	[sflag:s28] =	ssyncadd.s32 $0xFFFFF800  }
0x52: {  	_ =	swait.ge [sflag:s28], $0x800  }
0x53: {  	[sflag:s28] =	ssyncset.done $0x0  }
0x54: {  	[sflag:s28] =	ssyncadd.s32 $0xFFFFF800  }
0x55: {  	_ =	swait.ge [sflag:s28], $0x800  }
0x56: {  	[sflag:s28] =	ssyncset.done $0x0  }
0x57: {  	[sflag:s28] =	ssyncadd.s32 $0xFFFFF800  }
0x58: {  	_ =	swait.ge [sflag:s28], $0x800  }
0x59: {  	[sflag:s28] =	ssyncset.done $0x0  }
0x5a: {  	[sflag:s28] =	ssyncadd.s32 $0xFFFFF800  }
0x5b: {  	_ =	swait.ge [sflag:s28], $0x800  }
0x5c: {  	[sflag:s28] =	ssyncset.done $0x0  }
0x5d: {  	[sflag:s28] =	ssyncadd.s32 $0xFFFFF800  }
0x5e: {  	_ =	swait.ge [sflag:s28], $0x800  }
0x5f: {  	[sflag:s28] =	ssyncset.done $0x0  }
0x60: {  	[sflag:s28] =	ssyncadd.s32 $0xFFFFF800  }
0x61: {  	_ =	swait.ge [sflag:s28], $0x800  }
0x62: {  	[sflag:s28] =	ssyncset.done $0x0  }
0x63: {  	[sflag:s28] =	ssyncadd.s32 $0xFFFFF800  }
0x64: {  	_ =	swait.ge [sflag:s28], $0x800  }
0x65: {  	[sflag:s28] =	ssyncset.done $0x0  }
0x66: {  	[sflag:s28] =	ssyncadd.s32 $0xFFFFF800  }
0x67: {  	_ =	swait.ge [sflag:s28], $0x800  }
0x68: {  	[sflag:s28] =	ssyncset.done $0x0  }
0x69: {  	[sflag:s28] =	ssyncadd.s32 $0xFFFFF800  }
0x6a: {  	_ =	swait.ge [sflag:s28], $0x800  }
0x6b: {  	[sflag:s28] =	ssyncset.done $0x0  }
0x6c: {  	[sflag:s28] =	ssyncadd.s32 $0xFFFFF800  }
0x6d: {  	_ =	swait.ge [sflag:s28], $0x800  }
0x6e: {  	[sflag:s28] =	ssyncset.done $0x0  }
0x6f: {  	[sflag:s28] =	ssyncadd.s32 $0xFFFFF800  }
0x70: {  	_ =	swait.ge [sflag:s28], $0x800  }
0x71: {  	[sflag:s28] =	ssyncset.done $0x0  }
0x72: {  	[sflag:s28] =	ssyncadd.s32 $0xFFFFF800  }
0x73: {  	_ =	swait.ge [sflag:s28], $0x800  }
0x74: {  	[sflag:s28] =	ssyncset.done $0x0  }
0x75: {  	[sflag:s28] =	ssyncadd.s32 $0xFFFFF800  }
0x76: {  	_ =	swait.ge [sflag:s28], $0x800  }
0x77: {  	[sflag:s28] =	ssyncset.done $0x0  }
0x78: {  	[sflag:s28] =	ssyncadd.s32 $0xFFFFF800  }
0x79: {  	_ =	swait.ge [sflag:s28], $0x800  }
0x7a: {  	[sflag:s28] =	ssyncset.done $0x0  }
0x7b: {  	[sflag:s28] =	ssyncadd.s32 $0xFFFFF800  }
0x7c: {  	_ =	swait.ge [sflag:s28], $0x800  }
0x7d: {  	[sflag:s28] =	ssyncset.done $0x0  }
0x7e: {  	[sflag:s28] =	ssyncadd.s32 $0xFFFFF800  }
0x7f: {  	_ =	swait.ge [sflag:s28], $0x800  }
0x80: {  	s29 =	sadd.s32 $0x1, s29;
	s0 =	rddreg [dreg:$0x7]  }
0x81: {  	p0 =	sne.s32 s29, s0  }
.Ltmp1:
0x82: {  	_ = 	snop;
	(pc) =	sbr.rel @!p0 .LBB2_11-.Ltmp1, $3  }
0x83: {  	_ =	sdelay $0x1  }
0x84: {  	[sflag:s28] =	ssyncset.done $0x0  }
0x85: {  	[sflag:s28] =	ssyncadd.s32 $0xFFFFF800  }
.LBB2_1:
0x86: {  	[tilespmem:s2], [sflag:$0x1] =	stream.linear.gather [hbm4b:s3+s2], $0x2000, $0x38;
	[tilespmem:$0x10000] =	vst v63  }
0x87: {  	s0 =	rddreg [dreg:$0x3]  }
0x88: {  	[tilespmem:s17], [sflag:$0x1] =	stream.linear.gather [hbm4b:s0+s2], $0x2000, $0x38;
	[tilespmem:$0x10000] =	vst v63  }
0x89: {  	s4 =	rddreg [dreg:$0x4]  }
0x8a: {  	[tilespmem:s18], [sflag:$0x1] =	stream.linear.gather [hbm4b:s4+s2], $0x2000, $0x38;
	[tilespmem:$0x10000] =	vst v63  }
0x8b: {  	s24 =	rddreg [dreg:$0x5]  }
0x8c: {  	[tilespmem:s19], [sflag:$0x1] =	stream.linear.gather [hbm4b:s24+s2], $0x2000, $0x38;
	[tilespmem:$0x10000] =	vst v63  }
0x8d: {  	_ =	swait.ge [sflag:s20], $0x2000  }
0x8e: {  	[sflag:s20] =	ssyncset.done $0x0  }
0x8f: {  	[sflag:s20] =	ssyncadd.s32 $0xFFFFE000  }
0x90: {  	[hbm4b:s7+s2] =	stream.linear.scatter [tilespmem:s2], [sflag:$0x3], $0x800, $0x38;
	[tilespmem:$0x10000] =	vst v63  }
0x91: {  	s1 =	simm.s32 $0x400;
	s25 =	rddreg [dreg:$0x8]  }
0x92: {  	[hbm4b:s25+s2] =	stream.linear.scatter [tilespmem:s1], [sflag:$0x3], $0x800, $0x38;
	[tilespmem:$0x10000] =	vst v63  }
0x93: {  	s31 =	simm.s32 $0x800;
	s30 =	rddreg [dreg:$0x9]  }
0x94: {  	[hbm4b:s30+s2] =	stream.linear.scatter [tilespmem:s31], [sflag:$0x3], $0x800, $0x38;
	[tilespmem:$0x10000] =	vst v63  }
0x95: {  	s4 =	simm.s32 $0xC00;
	s1 =	rddreg [dreg:$0xa]  }
0x96: {  	[hbm4b:s1+s2] =	stream.linear.scatter [tilespmem:s4], [sflag:$0x3], $0x800, $0x38;
	[tilespmem:$0x10000] =	vst v63  }
0x97: {  	s24 =	rddreg [dreg:$0xb];
	s25 =	simm.s32 $0x1000  }
0x98: {  	[hbm4b:s24+s2] =	stream.linear.scatter [tilespmem:s25], [sflag:$0x3], $0x800, $0x38;
	[tilespmem:$0x10000] =	vst v63  }
0x99: {  	s30 =	rddreg [dreg:$0xc];
	s31 =	simm.s32 $0x1400  }
0x9a: {  	[hbm4b:s30+s2] =	stream.linear.scatter [tilespmem:s31], [sflag:$0x3], $0x800, $0x38;
	[tilespmem:$0x10000] =	vst v63  }
0x9b: {  	s4 =	rddreg [dreg:$0xd];
	s24 =	simm.s32 $0x1800  }
0x9c: {  	[hbm4b:s4+s2] =	stream.linear.scatter [tilespmem:s24], [sflag:$0x3], $0x800, $0x38;
	[tilespmem:$0x10000] =	vst v63  }
0x9d: {  	_ =	swait.ge [sflag:s20], $0x2000  }
0x9e: {  	[sflag:s20] =	ssyncset.done $0x0  }
0x9f: {  	s30 =	simm.s32 $0x1C00;
	s25 =	rddreg [dreg:$0xe];
	[sflag:s20] =	ssyncadd.s32 $0xFFFFE000  }
0xa0: {  	[hbm4b:s25+s2] =	stream.linear.scatter [tilespmem:s30], [sflag:$0x3], $0x800, $0x38;
	[tilespmem:$0x10000] =	vst v63  }
0xa1: {  	s31 =	rddreg [dreg:$0xf]  }
0xa2: {  	[hbm4b:s31+s2] =	stream.linear.scatter [tilespmem:s17], [sflag:$0x3], $0x800, $0x38;
	[tilespmem:$0x10000] =	vst v63  }
0xa3: {  	s4 =	simm.s32 $0x2400;
	s1 =	rddreg [dreg:$0x10]  }
0xa4: {  	[hbm4b:s1+s2] =	stream.linear.scatter [tilespmem:s4], [sflag:$0x3], $0x800, $0x38;
	[tilespmem:$0x10000] =	vst v63  }
0xa5: {  	s24 =	rddreg [dreg:$0x11];
	s25 =	simm.s32 $0x2800  }
0xa6: {  	[hbm4b:s24+s2] =	stream.linear.scatter [tilespmem:s25], [sflag:$0x3], $0x800, $0x38;
	[tilespmem:$0x10000] =	vst v63  }
0xa7: {  	s30 =	rddreg [dreg:$0x12];
	s31 =	simm.s32 $0x2C00  }
0xa8: {  	[hbm4b:s30+s2] =	stream.linear.scatter [tilespmem:s31], [sflag:$0x3], $0x800, $0x38;
	[tilespmem:$0x10000] =	vst v63  }
0xa9: {  	s1 =	rddreg [dreg:$0x13];
	s4 =	simm.s32 $0x3000  }
0xaa: {  	[hbm4b:s1+s2] =	stream.linear.scatter [tilespmem:s4], [sflag:$0x3], $0x800, $0x38;
	[tilespmem:$0x10000] =	vst v63  }
0xab: {  	s24 =	rddreg [dreg:$0x16];
	s25 =	simm.s32 $0x3400  }
0xac: {  	[hbm4b:s24+s2] =	stream.linear.scatter [tilespmem:s25], [sflag:$0x3], $0x800, $0x38;
	[tilespmem:$0x10000] =	vst v63  }
0xad: {  	s30 =	rddreg [dreg:$0x17];
	s31 =	simm.s32 $0x3800  }
0xae: {  	[hbm4b:s30+s2] =	stream.linear.scatter [tilespmem:s31], [sflag:$0x3], $0x800, $0x38;
	[tilespmem:$0x10000] =	vst v63  }
0xaf: {  	_ =	swait.ge [sflag:s20], $0x2000  }
0xb0: {  	[sflag:s20] =	ssyncset.done $0x0  }
0xb1: {  	s24 =	simm.s32 $0x3C00;
	s4 =	rddreg [dreg:$0x18];
	[sflag:s20] =	ssyncadd.s32 $0xFFFFE000  }
0xb2: {  	[hbm4b:s4+s2] =	stream.linear.scatter [tilespmem:s24], [sflag:$0x3], $0x800, $0x38;
	[tilespmem:$0x10000] =	vst v63  }
0xb3: {  	s25 =	rddreg [dreg:$0x19]  }
0xb4: {  	[hbm4b:s25+s2] =	stream.linear.scatter [tilespmem:s18], [sflag:$0x3], $0x800, $0x38;
	[tilespmem:$0x10000] =	vst v63  }
0xb5: {  	s31 =	simm.s32 $0x4400;
	s30 =	rddreg [dreg:$0x1a]  }
0xb6: {  	[hbm4b:s30+s2] =	stream.linear.scatter [tilespmem:s31], [sflag:$0x3], $0x800, $0x38;
	[tilespmem:$0x10000] =	vst v63  }
0xb7: {  	s1 =	rddreg [dreg:$0x1b];
	s4 =	simm.s32 $0x4800  }
0xb8: {  	[hbm4b:s1+s2] =	stream.linear.scatter [tilespmem:s4], [sflag:$0x3], $0x800, $0x38;
	[tilespmem:$0x10000] =	vst v63  }
0xb9: {  	s24 =	rddreg [dreg:$0x1c];
	s25 =	simm.s32 $0x4C00  }
0xba: {  	[hbm4b:s24+s2] =	stream.linear.scatter [tilespmem:s25], [sflag:$0x3], $0x800, $0x38;
	[tilespmem:$0x10000] =	vst v63  }
0xbb: {  	s30 =	rddreg [dreg:$0x1d];
	s31 =	simm.s32 $0x5000  }
0xbc: {  	[hbm4b:s30+s2] =	stream.linear.scatter [tilespmem:s31], [sflag:$0x3], $0x800, $0x38;
	[tilespmem:$0x10000] =	vst v63  }
0xbd: {  	s4 =	simm.s32 $0x5400  }
0xbe: {  	[hbm4b:s5+s2] =	stream.linear.scatter [tilespmem:s4], [sflag:$0x3], $0x800, $0x38;
	[tilespmem:$0x10000] =	vst v63  }
0xbf: {  	s24 =	simm.s32 $0x5800  }
0xc0: {  	[hbm4b:s6+s2] =	stream.linear.scatter [tilespmem:s24], [sflag:$0x3], $0x800, $0x38;
	[tilespmem:$0x10000] =	vst v63  }
0xc1: {  	_ =	swait.ge [sflag:s20], $0x2000  }
0xc2: {  	[sflag:s20] =	ssyncset.done $0x0  }
0xc3: {  	s25 =	simm.s32 $0x5C00;
	[sflag:s20] =	ssyncadd.s32 $0xFFFFE000  }
0xc4: {  	[hbm4b:s8+s2] =	stream.linear.scatter [tilespmem:s25], [sflag:$0x3], $0x800, $0x38;
	[tilespmem:$0x10000] =	vst v63  }
0xc5: {  	_ = 	snop  }
0xc6: {  	[hbm4b:s10+s2] =	stream.linear.scatter [tilespmem:s19], [sflag:$0x3], $0x800, $0x38;
	[tilespmem:$0x10000] =	vst v63  }
0xc7: {  	s30 =	simm.s32 $0x6400  }
0xc8: {  	[hbm4b:s11+s2] =	stream.linear.scatter [tilespmem:s30], [sflag:$0x3], $0x800, $0x38;
	[tilespmem:$0x10000] =	vst v63  }
0xc9: {  	s31 =	simm.s32 $0x6800  }
0xca: {  	[hbm4b:s12+s2] =	stream.linear.scatter [tilespmem:s31], [sflag:$0x3], $0x800, $0x38;
	[tilespmem:$0x10000] =	vst v63  }
0xcb: {  	s1 =	simm.s32 $0x6C00  }
0xcc: {  	[hbm4b:s13+s2] =	stream.linear.scatter [tilespmem:s1], [sflag:$0x3], $0x800, $0x38;
	[tilespmem:$0x10000] =	vst v63  }
0xcd: {  	s4 =	simm.s32 $0x7000  }
0xce: {  	[hbm4b:s14+s2] =	stream.linear.scatter [tilespmem:s4], [sflag:$0x3], $0x800, $0x38;
	[tilespmem:$0x10000] =	vst v63  }
0xcf: {  	s24 =	simm.s32 $0x7400  }
0xd0: {  	[hbm4b:s15+s2] =	stream.linear.scatter [tilespmem:s24], [sflag:$0x3], $0x800, $0x38;
	[tilespmem:$0x10000] =	vst v63  }
0xd1: {  	s25 =	simm.s32 $0x7800  }
0xd2: {  	[hbm4b:s16+s2] =	stream.linear.scatter [tilespmem:s25], [sflag:$0x3], $0x800, $0x38;
	[tilespmem:$0x10000] =	vst v63  }
0xd3: {  	s30 =	rddreg [dreg:$0x6]  }
0xd4: {  	[tilespmem:s21], [sflag:$0x2] =	stream.linear.gather [hbm4b:s30+s2], $0x8000, $0x38;
	[tilespmem:$0x10000] =	vst v63  }
0xd5: {  	_ =	swait.ge [sflag:s22], $0x8000  }
0xd6: {  	s0 =	simm.s32 $0x1000;
	[sflag:s22] =	ssyncset.done $0x0  }
0xd7: {  	s31 =	simm.s32 $0x8000;
	s1 =	smov.u32 s23;
	[sflag:s22] =	ssyncadd.s32 $0xFFFF8000  }
0xd8: {  	[hbm4b:s23+s2] =	stream.linear.scatter [tilespmem:s31], [sflag:$0x4], $0x800, $0x38;
	[tilespmem:$0x10000] =	vst v63  }
.LBB2_2:
0xd9: {  	p0 =	sne.s32 s0, $0x1E000  }
.Ltmp2:
0xda: {  	_ = 	snop;
	(pc) =	sbr.rel @p0 .LBB2_2-.Ltmp2, $4  }
0xdb: {  	_ = 	snop  }
0xdc: {  	s4 =	sshra.s32 s0, $0x2;
	s0 =	sadd.s32 $0x1000, s0  }
0xdd: {  	s1 =	sadd.s32 $0x2000, s1;
	s4 =	sadd.s32 $0x8000, s4  }
0xde: {  	[hbm4b:s1+s2] =	stream.linear.scatter [tilespmem:s4], [sflag:$0x4], $0x800, $0x38;
	[tilespmem:$0x10000] =	vst v63  }
0xdf: {  	_ =	swait.ge [sflag:s26], $0x800  }
0xe0: {  	[sflag:s26] =	ssyncset.done $0x0  }
0xe1: {  	[sflag:s26] =	ssyncadd.s32 $0xFFFFF800  }
0xe2: {  	_ =	swait.ge [sflag:s26], $0x800  }
0xe3: {  	[sflag:s26] =	ssyncset.done $0x0  }
0xe4: {  	[sflag:s26] =	ssyncadd.s32 $0xFFFFF800  }
0xe5: {  	_ =	swait.ge [sflag:s26], $0x800  }
0xe6: {  	[sflag:s26] =	ssyncset.done $0x0  }
0xe7: {  	[sflag:s26] =	ssyncadd.s32 $0xFFFFF800  }
0xe8: {  	_ =	swait.ge [sflag:s26], $0x800  }
0xe9: {  	[sflag:s26] =	ssyncset.done $0x0  }
0xea: {  	[sflag:s26] =	ssyncadd.s32 $0xFFFFF800  }
0xeb: {  	_ =	swait.ge [sflag:s26], $0x800  }
0xec: {  	[sflag:s26] =	ssyncset.done $0x0  }
0xed: {  	[sflag:s26] =	ssyncadd.s32 $0xFFFFF800  }
0xee: {  	_ =	swait.ge [sflag:s26], $0x800  }
0xef: {  	[sflag:s26] =	ssyncset.done $0x0  }
0xf0: {  	[sflag:s26] =	ssyncadd.s32 $0xFFFFF800  }
0xf1: {  	_ =	swait.ge [sflag:s26], $0x800  }
0xf2: {  	[sflag:s26] =	ssyncset.done $0x0  }
0xf3: {  	[sflag:s26] =	ssyncadd.s32 $0xFFFFF800  }
0xf4: {  	_ =	swait.ge [sflag:s26], $0x800  }
0xf5: {  	[sflag:s26] =	ssyncset.done $0x0  }
0xf6: {  	[sflag:s26] =	ssyncadd.s32 $0xFFFFF800  }
0xf7: {  	_ =	swait.ge [sflag:s26], $0x800  }
0xf8: {  	[sflag:s26] =	ssyncset.done $0x0  }
0xf9: {  	[sflag:s26] =	ssyncadd.s32 $0xFFFFF800  }
0xfa: {  	_ =	swait.ge [sflag:s26], $0x800  }
0xfb: {  	[sflag:s26] =	ssyncset.done $0x0  }
0xfc: {  	[sflag:s26] =	ssyncadd.s32 $0xFFFFF800  }
0xfd: {  	_ =	swait.ge [sflag:s26], $0x800  }
0xfe: {  	[sflag:s26] =	ssyncset.done $0x0  }
0xff: {  	[sflag:s26] =	ssyncadd.s32 $0xFFFFF800  }
0x100: {  	_ =	swait.ge [sflag:s26], $0x800  }
0x101: {  	[sflag:s26] =	ssyncset.done $0x0  }
0x102: {  	[sflag:s26] =	ssyncadd.s32 $0xFFFFF800  }
0x103: {  	_ =	swait.ge [sflag:s26], $0x800  }
0x104: {  	[sflag:s26] =	ssyncset.done $0x0  }
0x105: {  	[sflag:s26] =	ssyncadd.s32 $0xFFFFF800  }
0x106: {  	_ =	swait.ge [sflag:s26], $0x800  }
0x107: {  	[sflag:s26] =	ssyncset.done $0x0  }
0x108: {  	[sflag:s26] =	ssyncadd.s32 $0xFFFFF800  }
0x109: {  	_ =	swait.ge [sflag:s26], $0x800  }
0x10a: {  	[sflag:s26] =	ssyncset.done $0x0  }
0x10b: {  	[sflag:s26] =	ssyncadd.s32 $0xFFFFF800  }
0x10c: {  	_ =	swait.ge [sflag:s26], $0x800  }
0x10d: {  	[sflag:s26] =	ssyncset.done $0x0  }
0x10e: {  	[sflag:s26] =	ssyncadd.s32 $0xFFFFF800  }
0x10f: {  	_ =	swait.ge [sflag:s26], $0x800  }
0x110: {  	[sflag:s26] =	ssyncset.done $0x0  }
0x111: {  	[sflag:s26] =	ssyncadd.s32 $0xFFFFF800  }
0x112: {  	_ =	swait.ge [sflag:s26], $0x800  }
0x113: {  	[sflag:s26] =	ssyncset.done $0x0  }
0x114: {  	[sflag:s26] =	ssyncadd.s32 $0xFFFFF800  }
0x115: {  	_ =	swait.ge [sflag:s26], $0x800  }
0x116: {  	[sflag:s26] =	ssyncset.done $0x0  }
0x117: {  	[sflag:s26] =	ssyncadd.s32 $0xFFFFF800  }
0x118: {  	_ =	swait.ge [sflag:s26], $0x800  }
0x119: {  	[sflag:s26] =	ssyncset.done $0x0  }
0x11a: {  	[sflag:s26] =	ssyncadd.s32 $0xFFFFF800  }
0x11b: {  	_ =	swait.ge [sflag:s26], $0x800  }
0x11c: {  	[sflag:s26] =	ssyncset.done $0x0  }
0x11d: {  	[sflag:s26] =	ssyncadd.s32 $0xFFFFF800  }
0x11e: {  	_ =	swait.ge [sflag:s26], $0x800  }
0x11f: {  	[sflag:s26] =	ssyncset.done $0x0  }
0x120: {  	[sflag:s26] =	ssyncadd.s32 $0xFFFFF800  }
0x121: {  	_ =	swait.ge [sflag:s26], $0x800  }
0x122: {  	[sflag:s26] =	ssyncset.done $0x0  }
0x123: {  	[sflag:s26] =	ssyncadd.s32 $0xFFFFF800  }
0x124: {  	_ =	swait.ge [sflag:s26], $0x800  }
0x125: {  	[sflag:s26] =	ssyncset.done $0x0  }
0x126: {  	[sflag:s26] =	ssyncadd.s32 $0xFFFFF800  }
0x127: {  	_ =	swait.ge [sflag:s26], $0x800  }
0x128: {  	[sflag:s26] =	ssyncset.done $0x0  }
0x129: {  	[sflag:s26] =	ssyncadd.s32 $0xFFFFF800  }
0x12a: {  	_ =	swait.ge [sflag:s26], $0x800  }
0x12b: {  	[sflag:s26] =	ssyncset.done $0x0  }
0x12c: {  	[sflag:s26] =	ssyncadd.s32 $0xFFFFF800  }
0x12d: {  	_ =	swait.ge [sflag:s26], $0x800  }
0x12e: {  	[sflag:s26] =	ssyncset.done $0x0  }
0x12f: {  	[sflag:s26] =	ssyncadd.s32 $0xFFFFF800  }
0x130: {  	_ =	swait.ge [sflag:s26], $0x800  }
0x131: {  	[sflag:s26] =	ssyncset.done $0x0  }
0x132: {  	[sflag:s26] =	ssyncadd.s32 $0xFFFFF800  }
0x133: {  	_ =	swait.ge [sflag:s26], $0x800  }
0x134: {  	[sflag:s26] =	ssyncset.done $0x0  }
0x135: {  	[sflag:s26] =	ssyncadd.s32 $0xFFFFF800  }
0x136: {  	_ =	swait.ge [sflag:s26], $0x800  }
0x137: {  	[sflag:s26] =	ssyncset.done $0x0  }
0x138: {  	[sflag:s26] =	ssyncadd.s32 $0xFFFFF800  }
0x139: {  	_ =	swait.ge [sflag:s26], $0x800  }
0x13a: {  	[sflag:s26] =	ssyncset.done $0x0;
	s25 =	rddreg [dreg:$0x15]  }
0x13b: {  	s30 =	simm.s32 $0x1;
	s1 =	rddreg [dreg:$0x14];
	[sflag:s26] =	ssyncadd.s32 $0xFFFFF800  }
0x13c: {  	[tilespmem:s2], [sflag:$0x1] =	stream.linear.gather [hbm4b:s9+s2], $0x8000, $0x38;
	[tilespmem:$0x10000] =	vst v63  }
.LBB2_4:
0x13d: {  	_ =	swait.ge [sflag:s20], $0x8000  }
0x13e: {  	s24 =	simm.s32 $0x1000;
	s4 =	simm.s32 $0x0;
	[sflag:s20] =	ssyncset.done $0x0  }
0x13f: {  	s0 =	sadd.s32 $0x2000, s1;
	s31 =	smov.u32 s1;
	[sflag:s20] =	ssyncadd.s32 $0xFFFF8000  }
.LBB2_5:
0x140: {  	[hbm4b:s31+s2] =	stream.linear.scatter [tilespmem:s4], [sflag:$0x3], $0x800, $0x38;
	[tilespmem:$0x10000] =	vst v63  }
0x141: {  	s4 =	smov.u32 s24;
	s31 =	smov.u32 s0;
	p0 =	sne.s32 s24, $0x1E000  }
.Ltmp3:
0x142: {  	s24 =	sadd.s32 $0x1000, s24;
	(pc) =	sbr.rel @p0 .LBB2_5-.Ltmp3, $2  }
0x143: {  	_ =	sdelay $0x2  }
0x144: {  	s0 =	sadd.s32 $0x2000, s0;
	s4 =	sshra.s32 s4, $0x2  }
0x145: {  	[hbm4b:s31+s2] =	stream.linear.scatter [tilespmem:s4], [sflag:$0x3], $0x800, $0x38;
	[tilespmem:$0x10000] =	vst v63  }
0x146: {  	_ =	swait.ge [sflag:s28], $0x800  }
0x147: {  	[sflag:s28] =	ssyncset.done $0x0  }
0x148: {  	[sflag:s28] =	ssyncadd.s32 $0xFFFFF800  }
0x149: {  	_ =	swait.ge [sflag:s28], $0x800  }
0x14a: {  	[sflag:s28] =	ssyncset.done $0x0  }
0x14b: {  	[sflag:s28] =	ssyncadd.s32 $0xFFFFF800  }
0x14c: {  	_ =	swait.ge [sflag:s28], $0x800  }
0x14d: {  	[sflag:s28] =	ssyncset.done $0x0  }
0x14e: {  	[sflag:s28] =	ssyncadd.s32 $0xFFFFF800  }
0x14f: {  	_ =	swait.ge [sflag:s28], $0x800  }
0x150: {  	[sflag:s28] =	ssyncset.done $0x0  }
0x151: {  	[sflag:s28] =	ssyncadd.s32 $0xFFFFF800  }
0x152: {  	_ =	swait.ge [sflag:s28], $0x800  }
0x153: {  	[sflag:s28] =	ssyncset.done $0x0  }
0x154: {  	[sflag:s28] =	ssyncadd.s32 $0xFFFFF800  }
0x155: {  	_ =	swait.ge [sflag:s28], $0x800  }
0x156: {  	[sflag:s28] =	ssyncset.done $0x0  }
0x157: {  	[sflag:s28] =	ssyncadd.s32 $0xFFFFF800  }
0x158: {  	_ =	swait.ge [sflag:s28], $0x800  }
0x159: {  	[sflag:s28] =	ssyncset.done $0x0  }
0x15a: {  	[sflag:s28] =	ssyncadd.s32 $0xFFFFF800  }
0x15b: {  	_ =	swait.ge [sflag:s28], $0x800  }
0x15c: {  	[sflag:s28] =	ssyncset.done $0x0  }
0x15d: {  	[sflag:s28] =	ssyncadd.s32 $0xFFFFF800  }
0x15e: {  	_ =	swait.ge [sflag:s28], $0x800  }
0x15f: {  	[sflag:s28] =	ssyncset.done $0x0  }
0x160: {  	[sflag:s28] =	ssyncadd.s32 $0xFFFFF800  }
0x161: {  	_ =	swait.ge [sflag:s28], $0x800  }
0x162: {  	[sflag:s28] =	ssyncset.done $0x0  }
0x163: {  	[sflag:s28] =	ssyncadd.s32 $0xFFFFF800  }
0x164: {  	_ =	swait.ge [sflag:s28], $0x800  }
0x165: {  	[sflag:s28] =	ssyncset.done $0x0  }
0x166: {  	[sflag:s28] =	ssyncadd.s32 $0xFFFFF800  }
0x167: {  	_ =	swait.ge [sflag:s28], $0x800  }
0x168: {  	[sflag:s28] =	ssyncset.done $0x0  }
0x169: {  	[sflag:s28] =	ssyncadd.s32 $0xFFFFF800  }
0x16a: {  	_ =	swait.ge [sflag:s28], $0x800  }
0x16b: {  	[sflag:s28] =	ssyncset.done $0x0  }
0x16c: {  	[sflag:s28] =	ssyncadd.s32 $0xFFFFF800  }
0x16d: {  	_ =	swait.ge [sflag:s28], $0x800  }
0x16e: {  	[sflag:s28] =	ssyncset.done $0x0  }
0x16f: {  	[sflag:s28] =	ssyncadd.s32 $0xFFFFF800  }
0x170: {  	_ =	swait.ge [sflag:s28], $0x800  }
0x171: {  	[sflag:s28] =	ssyncset.done $0x0  }
0x172: {  	[sflag:s28] =	ssyncadd.s32 $0xFFFFF800  }
0x173: {  	_ =	swait.ge [sflag:s28], $0x800  }
0x174: {  	[sflag:s28] =	ssyncset.done $0x0  }
0x175: {  	[sflag:s28] =	ssyncadd.s32 $0xFFFFF800  }
0x176: {  	_ =	swait.ge [sflag:s28], $0x800  }
0x177: {  	[sflag:s28] =	ssyncset.done $0x0  }
0x178: {  	[sflag:s28] =	ssyncadd.s32 $0xFFFFF800  }
0x179: {  	_ =	swait.ge [sflag:s28], $0x800  }
0x17a: {  	[sflag:s28] =	ssyncset.done $0x0  }
0x17b: {  	[sflag:s28] =	ssyncadd.s32 $0xFFFFF800  }
0x17c: {  	_ =	swait.ge [sflag:s28], $0x800  }
0x17d: {  	[sflag:s28] =	ssyncset.done $0x0  }
0x17e: {  	[sflag:s28] =	ssyncadd.s32 $0xFFFFF800  }
0x17f: {  	_ =	swait.ge [sflag:s28], $0x800  }
0x180: {  	[sflag:s28] =	ssyncset.done $0x0  }
0x181: {  	[sflag:s28] =	ssyncadd.s32 $0xFFFFF800  }
0x182: {  	_ =	swait.ge [sflag:s28], $0x800  }
0x183: {  	[sflag:s28] =	ssyncset.done $0x0  }
0x184: {  	[sflag:s28] =	ssyncadd.s32 $0xFFFFF800  }
0x185: {  	_ =	swait.ge [sflag:s28], $0x800  }
0x186: {  	[sflag:s28] =	ssyncset.done $0x0  }
0x187: {  	[sflag:s28] =	ssyncadd.s32 $0xFFFFF800  }
0x188: {  	_ =	swait.ge [sflag:s28], $0x800  }
0x189: {  	[sflag:s28] =	ssyncset.done $0x0  }
0x18a: {  	[sflag:s28] =	ssyncadd.s32 $0xFFFFF800  }
0x18b: {  	_ =	swait.ge [sflag:s28], $0x800  }
0x18c: {  	[sflag:s28] =	ssyncset.done $0x0  }
0x18d: {  	[sflag:s28] =	ssyncadd.s32 $0xFFFFF800  }
0x18e: {  	_ =	swait.ge [sflag:s28], $0x800  }
0x18f: {  	[sflag:s28] =	ssyncset.done $0x0  }
0x190: {  	[sflag:s28] =	ssyncadd.s32 $0xFFFFF800  }
0x191: {  	_ =	swait.ge [sflag:s28], $0x800  }
0x192: {  	[sflag:s28] =	ssyncset.done $0x0  }
0x193: {  	[sflag:s28] =	ssyncadd.s32 $0xFFFFF800  }
0x194: {  	_ =	swait.ge [sflag:s28], $0x800  }
0x195: {  	[sflag:s28] =	ssyncset.done $0x0  }
0x196: {  	[sflag:s28] =	ssyncadd.s32 $0xFFFFF800  }
0x197: {  	_ =	swait.ge [sflag:s28], $0x800  }
0x198: {  	[sflag:s28] =	ssyncset.done $0x0  }
0x199: {  	[sflag:s28] =	ssyncadd.s32 $0xFFFFF800  }
0x19a: {  	_ =	swait.ge [sflag:s28], $0x800  }
0x19b: {  	[sflag:s28] =	ssyncset.done $0x0  }
0x19c: {  	[sflag:s28] =	ssyncadd.s32 $0xFFFFF800  }
0x19d: {  	_ =	swait.ge [sflag:s28], $0x800  }
0x19e: {  	[sflag:s28] =	ssyncset.done $0x0  }
0x19f: {  	[sflag:s28] =	ssyncadd.s32 $0xFFFFF800  }
0x1a0: {  	s24 =	sshll.u32 s30, $0x12;
	_ =	swait.ge [sflag:s28], $0x800  }
0x1a1: {  	s0 =	sadd.s32 s24, s3;
	[sflag:s28] =	ssyncset.done $0x0  }
0x1a2: {  	s4 =	simm.s32 $0x0;
	s0 =	sadd.s32 $0x20000, s0;
	[sflag:s28] =	ssyncadd.s32 $0xFFFFF800  }
0x1a3: {  	[tilespmem:s21], [sflag:$0x2] =	stream.linear.gather [hbm4b:s0+s4], $0x8000, $0x38;
	[tilespmem:$0x10000] =	vst v63  }
0x1a4: {  	_ =	swait.ge [sflag:s22], $0x8000  }
0x1a5: {  	s31 =	smov.u32 s25;
	[sflag:s22] =	ssyncset.done $0x0  }
0x1a6: {  	s4 =	simm.s32 $0x8000;
	s0 =	simm.s32 $0x1000;
	[sflag:s22] =	ssyncadd.s32 $0xFFFF8000  }
0x1a7: {  	[hbm4b:s25+s2] =	stream.linear.scatter [tilespmem:s4], [sflag:$0x4], $0x800, $0x38;
	[tilespmem:$0x10000] =	vst v63  }
.LBB2_7:
0x1a8: {  	p0 =	sne.s32 s0, $0x1E000  }
.Ltmp4:
0x1a9: {  	_ = 	snop;
	(pc) =	sbr.rel @p0 .LBB2_7-.Ltmp4, $4  }
0x1aa: {  	_ = 	snop  }
0x1ab: {  	s4 =	sshra.s32 s0, $0x2;
	s0 =	sadd.s32 $0x1000, s0  }
0x1ac: {  	s31 =	sadd.s32 $0x2000, s31;
	s4 =	sadd.s32 $0x8000, s4  }
0x1ad: {  	[hbm4b:s31+s2] =	stream.linear.scatter [tilespmem:s4], [sflag:$0x4], $0x800, $0x38;
	[tilespmem:$0x10000] =	vst v63  }
0x1ae: {  	_ =	swait.ge [sflag:s26], $0x800  }
0x1af: {  	[sflag:s26] =	ssyncset.done $0x0  }
0x1b0: {  	[sflag:s26] =	ssyncadd.s32 $0xFFFFF800  }
0x1b1: {  	_ =	swait.ge [sflag:s26], $0x800  }
0x1b2: {  	[sflag:s26] =	ssyncset.done $0x0  }
0x1b3: {  	[sflag:s26] =	ssyncadd.s32 $0xFFFFF800  }
0x1b4: {  	_ =	swait.ge [sflag:s26], $0x800  }
0x1b5: {  	[sflag:s26] =	ssyncset.done $0x0  }
0x1b6: {  	[sflag:s26] =	ssyncadd.s32 $0xFFFFF800  }
0x1b7: {  	_ =	swait.ge [sflag:s26], $0x800  }
0x1b8: {  	[sflag:s26] =	ssyncset.done $0x0  }
0x1b9: {  	[sflag:s26] =	ssyncadd.s32 $0xFFFFF800  }
0x1ba: {  	_ =	swait.ge [sflag:s26], $0x800  }
0x1bb: {  	[sflag:s26] =	ssyncset.done $0x0  }
0x1bc: {  	[sflag:s26] =	ssyncadd.s32 $0xFFFFF800  }
0x1bd: {  	_ =	swait.ge [sflag:s26], $0x800  }
0x1be: {  	[sflag:s26] =	ssyncset.done $0x0  }
0x1bf: {  	[sflag:s26] =	ssyncadd.s32 $0xFFFFF800  }
0x1c0: {  	_ =	swait.ge [sflag:s26], $0x800  }
0x1c1: {  	[sflag:s26] =	ssyncset.done $0x0  }
0x1c2: {  	[sflag:s26] =	ssyncadd.s32 $0xFFFFF800  }
0x1c3: {  	_ =	swait.ge [sflag:s26], $0x800  }
0x1c4: {  	[sflag:s26] =	ssyncset.done $0x0  }
0x1c5: {  	[sflag:s26] =	ssyncadd.s32 $0xFFFFF800  }
0x1c6: {  	_ =	swait.ge [sflag:s26], $0x800  }
0x1c7: {  	[sflag:s26] =	ssyncset.done $0x0  }
0x1c8: {  	[sflag:s26] =	ssyncadd.s32 $0xFFFFF800  }
0x1c9: {  	_ =	swait.ge [sflag:s26], $0x800  }
0x1ca: {  	[sflag:s26] =	ssyncset.done $0x0  }
0x1cb: {  	[sflag:s26] =	ssyncadd.s32 $0xFFFFF800  }
0x1cc: {  	_ =	swait.ge [sflag:s26], $0x800  }
0x1cd: {  	[sflag:s26] =	ssyncset.done $0x0  }
0x1ce: {  	[sflag:s26] =	ssyncadd.s32 $0xFFFFF800  }
0x1cf: {  	_ =	swait.ge [sflag:s26], $0x800  }
0x1d0: {  	[sflag:s26] =	ssyncset.done $0x0  }
0x1d1: {  	[sflag:s26] =	ssyncadd.s32 $0xFFFFF800  }
0x1d2: {  	_ =	swait.ge [sflag:s26], $0x800  }
0x1d3: {  	[sflag:s26] =	ssyncset.done $0x0  }
0x1d4: {  	[sflag:s26] =	ssyncadd.s32 $0xFFFFF800  }
0x1d5: {  	_ =	swait.ge [sflag:s26], $0x800  }
0x1d6: {  	[sflag:s26] =	ssyncset.done $0x0  }
0x1d7: {  	[sflag:s26] =	ssyncadd.s32 $0xFFFFF800  }
0x1d8: {  	_ =	swait.ge [sflag:s26], $0x800  }
0x1d9: {  	[sflag:s26] =	ssyncset.done $0x0  }
0x1da: {  	[sflag:s26] =	ssyncadd.s32 $0xFFFFF800  }
0x1db: {  	_ =	swait.ge [sflag:s26], $0x800  }
0x1dc: {  	[sflag:s26] =	ssyncset.done $0x0  }
0x1dd: {  	[sflag:s26] =	ssyncadd.s32 $0xFFFFF800  }
0x1de: {  	_ =	swait.ge [sflag:s26], $0x800  }
0x1df: {  	[sflag:s26] =	ssyncset.done $0x0  }
0x1e0: {  	[sflag:s26] =	ssyncadd.s32 $0xFFFFF800  }
0x1e1: {  	_ =	swait.ge [sflag:s26], $0x800  }
0x1e2: {  	[sflag:s26] =	ssyncset.done $0x0  }
0x1e3: {  	[sflag:s26] =	ssyncadd.s32 $0xFFFFF800  }
0x1e4: {  	_ =	swait.ge [sflag:s26], $0x800  }
0x1e5: {  	[sflag:s26] =	ssyncset.done $0x0  }
0x1e6: {  	[sflag:s26] =	ssyncadd.s32 $0xFFFFF800  }
0x1e7: {  	_ =	swait.ge [sflag:s26], $0x800  }
0x1e8: {  	[sflag:s26] =	ssyncset.done $0x0  }
0x1e9: {  	[sflag:s26] =	ssyncadd.s32 $0xFFFFF800  }
0x1ea: {  	_ =	swait.ge [sflag:s26], $0x800  }
0x1eb: {  	[sflag:s26] =	ssyncset.done $0x0  }
0x1ec: {  	[sflag:s26] =	ssyncadd.s32 $0xFFFFF800  }
0x1ed: {  	_ =	swait.ge [sflag:s26], $0x800  }
0x1ee: {  	[sflag:s26] =	ssyncset.done $0x0  }
0x1ef: {  	[sflag:s26] =	ssyncadd.s32 $0xFFFFF800  }
0x1f0: {  	_ =	swait.ge [sflag:s26], $0x800  }
0x1f1: {  	[sflag:s26] =	ssyncset.done $0x0  }
0x1f2: {  	[sflag:s26] =	ssyncadd.s32 $0xFFFFF800  }
0x1f3: {  	_ =	swait.ge [sflag:s26], $0x800  }
0x1f4: {  	[sflag:s26] =	ssyncset.done $0x0  }
0x1f5: {  	[sflag:s26] =	ssyncadd.s32 $0xFFFFF800  }
0x1f6: {  	_ =	swait.ge [sflag:s26], $0x800  }
0x1f7: {  	[sflag:s26] =	ssyncset.done $0x0  }
0x1f8: {  	[sflag:s26] =	ssyncadd.s32 $0xFFFFF800  }
0x1f9: {  	_ =	swait.ge [sflag:s26], $0x800  }
0x1fa: {  	[sflag:s26] =	ssyncset.done $0x0  }
0x1fb: {  	[sflag:s26] =	ssyncadd.s32 $0xFFFFF800  }
0x1fc: {  	_ =	swait.ge [sflag:s26], $0x800  }
0x1fd: {  	[sflag:s26] =	ssyncset.done $0x0  }
0x1fe: {  	[sflag:s26] =	ssyncadd.s32 $0xFFFFF800  }
0x1ff: {  	_ =	swait.ge [sflag:s26], $0x800  }
0x200: {  	[sflag:s26] =	ssyncset.done $0x0  }
0x201: {  	[sflag:s26] =	ssyncadd.s32 $0xFFFFF800  }
0x202: {  	_ =	swait.ge [sflag:s26], $0x800  }
0x203: {  	[sflag:s26] =	ssyncset.done $0x0  }
0x204: {  	[sflag:s26] =	ssyncadd.s32 $0xFFFFF800  }
0x205: {  	p0 =	seq.s32 s30, $0x7;
	_ =	swait.ge [sflag:s26], $0x800  }
.Ltmp5:
0x206: {  	[sflag:s26] =	ssyncset.done $0x0;
	(pc) =	sbr.rel @p0 .LBB2_10-.Ltmp5, $4  }
0x207: {  	[sflag:s26] =	ssyncadd.s32 $0xFFFFF800  }
0x208: {  	_ =	swait.ge [sflag:s26], $0x800  }
0x209: {  	[sflag:s26] =	ssyncset.done $0x0  }
0x20a: {  	[sflag:s26] =	ssyncadd.s32 $0xFFFFF800  }
.Ltmp6:
0x20b: {  	(pc) =	sbr.rel .LBB2_4-.Ltmp6, $4  }
0x20c: {  	_ = 	snop  }
0x20d: {  	s0 =	sadd.s32 s24, s9  }
0x20e: {  	s30 =	sadd.s32 $0x1, s30;
	s1 =	sadd.s32 $0x7C000, s1;
	s25 =	sadd.s32 $0x7C000, s25  }
0x20f: {  	[tilespmem:s2], [sflag:$0x1] =	stream.linear.gather [hbm4b:s0+s2], $0x8000, $0x38;
	[tilespmem:$0x10000] =	vst v63  }
.LBB2_11:
0x210: {  	_ =	sfence.sel $0x180000  }
0x211: {  	[bflag:$0x0] =	sbarrier.arrive $0xFFFF  }
0x212: {  	_ =	strace $0x90000047  }
0x213: {  	s0 =	stileid.u32;
	[bflag:$0x2] =	sbarrier.arrive $0xFFFF  }
0x214: {  	p0 =	sne.s32 s0, $0x0;
	s0 =	rddreg [dreg:$0x2]  }
0x215: {  	s0 =	sadd.s32 @!p0 $0x100000, s0  }
0x216: {  	[sflag:s0] =	ssyncadd.tile.s32 @!p0 $0x1;
	_ =	shalt  }
.Lfunc_end2:
_tile_overlayer_lowered:
.L_overlay_start_2:
0x217: {  	(tag) =	ssettag $0x2  }
0x218: {  	s0 =	rddreg [dreg:$0x0];
	s2 =	stileid.u32  }
0x219: {  	s1 =	rddreg [dreg:$0x1];
	p0 =	sne.s32 s2, $0x0  }
0x21a: {  	s3 =	rddreg [dreg:$0x2];
	[bflag:$0x3] =	sbarrier.arrive $0xFFFF;
	s2 =	simm.s32 @!p0 $0x1C05  }
0x21b: {  	[timem:s3], [sflag:s2] =	dma.local @!p0 [hbm:s0], s1  }
0x21c: {  	s0 =	simm.s32 @!p0 $0x5  }
0x21d: {  	_ =	swait.ge @!p0 [sflag:s0], s1  }
0x21e: {  	s1 =	ssub.s32 @!p0 $0x0, s1;
	[sflag:s0] =	ssyncset.done @!p0 $0x0  }
0x21f: {  	[sflag:s0] =	ssyncadd.s32 @!p0 s1  }
0x220: {  	[bflag:$0x3] =	sbarrier.arrive $0xFFFF  }
0x221: {  	_ =	shalt  }

</sc_bundles>
